<compile_context>
chip_gen: v7x
topology: tpu7x:2x2x1
jax: 0.10.2.dev20260603
libtpu: 0.0.44.dev20260713+nightly
codegen_flags: <defaults>
</compile_context>

<pallas_src>
import jax
import jax.numpy as jnp
from jax import lax
from jax.experimental import pallas as pl
from jax.experimental.pallas import tpu as pltpu
from jax.experimental.pallas import tpu_sc as plsc

NS = 16
CH = 120
NROW = 3
SLAG = 2
NIDX = 6
ZR = 128


def _relu_matmul_table(x, rel_weights):
    n, d_in = x.shape
    r, _, d_out = rel_weights.shape
    bn = 2000
    assert n % bn == 0

    def body(x_ref, w_ref, o_ref):
        o_ref[...] = jnp.maximum(
            jnp.dot(x_ref[...], w_ref[0], preferred_element_type=jnp.float32),
            0.0,
        )[None]

    return pl.pallas_call(
        body,
        grid=(n // bn, r),
        in_specs=[
            pl.BlockSpec((bn, d_in), lambda i, ri: (i, 0)),
            pl.BlockSpec((1, d_in, d_out), lambda i, ri: (ri, 0, 0)),
        ],
        out_specs=pl.BlockSpec((1, bn, d_out), lambda i, ri: (ri, i, 0)),
        out_shape=jax.ShapeDtypeStruct((r, n, d_out), jnp.float32),
    )(x, rel_weights)


def _sc_gather_scatter(table, eidx, zinit, n_nodes, nch):
    d = table.shape[1]
    rpa = -(-(-(-n_nodes // NS)) // ZR) * ZR
    n_acc = NS * rpa
    last = n_nodes - (NS - 1) * rpa
    assert n_acc > n_nodes and 0 < last <= rpa and last % 8 == 0
    assert nch % NIDX == 0 and nch >= NIDX
    mesh = plsc.VectorSubcoreMesh(
        core_axis_name="c", subcore_axis_name="s",
        num_cores=2, num_subcores=NS)

    def body(table_hbm, eidx_hbm, zinit_hbm, out_hbm,
             idx_v, rows_v, acc, sem_i, sem_g, sem_s):
        cid = lax.axis_index("c")
        sid = lax.axis_index("s")

        @pl.when(cid == 0)
        def _core0_body():
            _tile_work(table_hbm, eidx_hbm, zinit_hbm, out_hbm,
                       idx_v, rows_v, acc, sem_i, sem_g, sem_s, sid)

    def _tile_work(table_hbm, eidx_hbm, zinit_hbm, out_hbm,
                   idx_v, rows_v, acc, sem_i, sem_g, sem_s, sid):
        r0 = sid * rpa
        for k in range(rpa // ZR):
            pltpu.sync_copy(zinit_hbm, acc.at[pl.ds(r0 + k * ZR, ZR)])

        plsc.subcore_barrier()

        def fetch_idx(c, b):
            pltpu.async_copy(eidx_hbm.at[sid, c], idx_v.at[b], sem_i.at[b])

        def fetch_idx_wait(c, b):
            pltpu.make_async_copy(eidx_hbm.at[sid, c], idx_v.at[b],
                                  sem_i.at[b]).wait()

        def gather(b, rb):
            pltpu.async_copy(table_hbm.at[idx_v.at[b, 0]], rows_v.at[rb],
                             sem_g.at[rb])

        def gather_wait(b, rb):
            pltpu.make_async_copy(table_hbm.at[idx_v.at[b, 0]],
                                  rows_v.at[rb], sem_g.at[rb]).wait()

        def scatter(b, rb):
            pltpu.async_copy(rows_v.at[rb], acc.at[idx_v.at[b, 1]],
                             sem_s.at[rb], add=True)

        def scatter_wait(b, rb):
            pltpu.make_async_copy(rows_v.at[rb], acc.at[idx_v.at[b, 1]],
                                  sem_s.at[rb]).wait()

        for j in range(3):
            fetch_idx(j, j % NIDX)
        fetch_idx_wait(0, 0)
        gather(0, 0)

        @pl.loop(0, nch, step=NIDX)
        def _(c0):
            for k in range(NIDX):
                cc = c0 + k
                b = k
                rb = k % NROW
                gb = (k + 1) % NIDX
                grb = (k + 1) % NROW
                fb = (k + 3) % NIDX

                @pl.when(cc + 1 < nch)
                def _():
                    fetch_idx_wait(cc + 1, gb)

                    @pl.when(cc >= SLAG)
                    def _():
                        scatter_wait((k - SLAG) % NIDX, (k - SLAG) % NROW)

                    gather(gb, grb)

                @pl.when(cc + 3 < nch)
                def _():
                    fetch_idx(cc + 3, fb)

                gather_wait(b, rb)
                scatter(b, rb)

        for j in range(nch - NROW, nch):
            scatter_wait(j % NIDX, j % NROW)

        plsc.subcore_barrier()

        @pl.when(sid < NS - 1)
        def _():
            pltpu.sync_copy(acc.at[pl.ds(r0, rpa)],
                            out_hbm.at[pl.ds(r0, rpa)])

        @pl.when(sid == NS - 1)
        def _():
            pltpu.sync_copy(acc.at[pl.ds(r0, last)],
                            out_hbm.at[pl.ds(r0, last)])

    return pl.kernel(
        body,
        out_type=jax.ShapeDtypeStruct((n_nodes, d), jnp.float32),
        mesh=mesh,
        scratch_types=[
            pltpu.VMEM((NIDX, 2, CH), jnp.int32),
            pltpu.VMEM((NROW, CH, d), jnp.float32),
            pltpu.VMEM_SHARED((n_acc, d), jnp.float32),
            pltpu.SemaphoreType.DMA((NIDX,)),
            pltpu.SemaphoreType.DMA((NROW,)),
            pltpu.SemaphoreType.DMA((NROW,)),
        ],
    )(table, eidx, zinit)


def kernel(x, edge_index, edge_type, rel_weights):
    n_nodes, d_in = x.shape
    n_rel, _, d_out = rel_weights.shape
    n_edges = edge_index.shape[1]

    dst = edge_index[0].astype(jnp.int32)
    src = edge_index[1].astype(jnp.int32)
    et = edge_type.astype(jnp.int32)
    gidx = et * n_nodes + src

    t_chunks = -(-n_edges // CH)
    nch = -(-t_chunks // NS)
    nch += (-nch) % NIDX
    e_pad = NS * nch * CH
    pad = e_pad - n_edges
    assert pad >= 0
    if pad:
        gidx = jnp.concatenate([gidx, jnp.zeros((pad,), jnp.int32)])
        dst = jnp.concatenate([dst, jnp.full((pad,), n_nodes, jnp.int32)])
    eidx = jnp.stack(
        [gidx.reshape(NS, nch, CH), dst.reshape(NS, nch, CH)], axis=2)

    table = _relu_matmul_table(x, rel_weights).reshape(n_rel * n_nodes, d_out)
    zinit = jnp.zeros((ZR, d_out), jnp.float32)
    return _sc_gather_scatter(table, eidx, zinit, n_nodes, nch)

# --- scband reference (transcript-rebuilt; emitter-appended) ---
"""Pipeline reference for scband-rgcnlayer-6571299963187 (READ-ONLY COPY).

The authoritative reference and input builder live on the scoring server;
editing this copy changes nothing except your own understanding.
"""

import jax, jax.numpy as jnp
import numpy as np

N_NODES = 10000
N_EDGES = 320000
D_IN = 128
D_OUT = 128
NUM_RELATIONS = 8


def setup_inputs(seed: int = 0) -> dict:
    key = jax.random.key(seed)
    k_x, k_ei, k_et, k_w = jax.random.split(key, 4)
    x = jax.random.normal(k_x, (N_NODES, D_IN), dtype=jnp.float32)
    edge_index = jax.random.randint(k_ei, (2, N_EDGES), 0, N_NODES, dtype=jnp.int64)
    edge_type = jax.random.randint(k_et, (N_EDGES,), 0, NUM_RELATIONS, dtype=jnp.int64)
    # xavier_uniform init for each relation weight, stacked [R, D_IN, D_OUT]
    bound = float(np.sqrt(6.0 / (D_IN + D_OUT)))
    rel_weights = jax.random.uniform(
        k_w, (NUM_RELATIONS, D_IN, D_OUT), dtype=jnp.float32,
        minval=-bound, maxval=bound)
    return {"x": x, "edge_index": edge_index, "edge_type": edge_type,
            "rel_weights": rel_weights}


def reference(x, edge_index, edge_type, rel_weights):
    # Faithful translation of RGCNLayer.forward:
    # for each relation i: select edges with edge_type == i,
    # gather neighbor features (edge_index[1]), transform with W_i,
    # relu, scatter-add into destination nodes (edge_index[0]).
    # Boolean edge selection is expressed as a multiplicative mask so
    # shapes stay static; masked (zeroed) messages contribute nothing,
    # which is mathematically identical.
    dst = edge_index[0]
    src = edge_index[1]
    z = jnp.zeros((x.shape[0], rel_weights.shape[2]), dtype=x.dtype)
    for i in range(NUM_RELATIONS):
        mask = (edge_type == i).astype(x.dtype)[:, None]
        msg = jax.nn.relu(jnp.take(x, src, axis=0) @ rel_weights[i]) * mask
        z = z.at[dst].add(msg)
    return z

if __name__ == "__main__":
    import jax
    _d = setup_inputs()
    print(jax.jit(kernel)(*tuple(_d.values())))

</pallas_src>

<mosaic_0001>
#map = affine_map<(d0, d1) -> (0, 0)>
#map1 = affine_map<(d0, d1) -> (0, 0, 0, 0)>
module attributes {stable_mosaic.version = 14 : i64} {
  func.func @body(%arg0: i32, %arg1: i32, %arg2: memref<80000x128xf32, #tpu.memory_space<hbm>>, %arg3: memref<16x168x2x120xi32, #tpu.memory_space<hbm>>, %arg4: memref<128x128xf32, #tpu.memory_space<hbm>>, %arg5: memref<10000x128xf32, #tpu.memory_space<hbm>>, %arg6: memref<6x2x120xi32, #tpu.memory_space<vmem>>, %arg7: memref<3x120x128xf32, #tpu.memory_space<vmem>>, %arg8: memref<10240x128xf32, #tpu.memory_space<vmem_shared>>, %arg9: memref<6x!tpu.dma_semaphore, #tpu.memory_space<semaphore_mem>>, %arg10: memref<3x!tpu.dma_semaphore, #tpu.memory_space<semaphore_mem>>, %arg11: memref<3x!tpu.dma_semaphore, #tpu.memory_space<semaphore_mem>>) attributes {dimension_semantics = [#tpu.dimension_semantics<core_parallel>, #tpu.dimension_semantics<subcore_parallel>], iteration_bounds = array<i64: 2, 16>, scalar_prefetch = 0 : i64, scratch_operands = 6 : i64, tpu.core_type = #tpu.core_type<sc_vector_subcore>, window_params = [{transform_indices = #map}, {transform_indices = #map1}, {transform_indices = #map}, {transform_indices = #map}]} {
    %eq3A = arith.constant 0 : i32
    %eq3A_0 = arith.cmpi eq, %arg0, %eq3A : i32
    %convert_element_type3A = arith.extui %eq3A_0 : i1 to i32
    %cond3A = arith.constant 0 : i32
    %cond3A_1 = arith.cmpi ne, %convert_element_type3A, %cond3A : i32
    scf.if %cond3A_1 {
      %mul3A = arith.constant 640 : i32
      %mul3A_2 = arith.muli %arg1, %mul3A : i32
      %add3A = arith.constant 0 : i32
      %add3A_3 = arith.addi %mul3A_2, %add3A : i32
      "tpu.region"() ({
        %run_scoped3A = tpu.sem_alloc : memref<!tpu.dma_semaphore, #tpu.memory_space<semaphore_mem>>
        %dma_start3A_172 = arith.constant 0 : i32
        %dma_start3A_173 = tpu.memref_slice %arg8[%add3A_3, %dma_start3A_172] : memref<10240x128xf32, #tpu.memory_space<vmem_shared>> -> memref<128x128xf32, #tpu.memory_space<vmem_shared>>
        tpu.enqueue_dma source(%arg4 : memref<128x128xf32, #tpu.memory_space<hbm>>) target(%dma_start3A_173 : memref<128x128xf32, #tpu.memory_space<vmem_shared>>) target_semaphore(%run_scoped3A : memref<!tpu.dma_semaphore, #tpu.memory_space<semaphore_mem>>)
        %dma_wait3A_174 = arith.constant 0 : i32
        %dma_wait3A_175 = tpu.memref_slice %arg8[%add3A_3, %dma_wait3A_174] : memref<10240x128xf32, #tpu.memory_space<vmem_shared>> -> memref<128x128xf32, #tpu.memory_space<vmem_shared>>
        tpu.wait_dma2 semaphore(%run_scoped3A : memref<!tpu.dma_semaphore, #tpu.memory_space<semaphore_mem>>) src(%arg4 : memref<128x128xf32, #tpu.memory_space<hbm>>) dst(%dma_wait3A_175 : memref<128x128xf32, #tpu.memory_space<vmem_shared>>)
        tpu.yield
      }) : () -> ()
      %add3A_4 = arith.constant 128 : i32
      %add3A_5 = arith.addi %mul3A_2, %add3A_4 : i32
      "tpu.region"() ({
        %run_scoped3A = tpu.sem_alloc : memref<!tpu.dma_semaphore, #tpu.memory_space<semaphore_mem>>
        %dma_start3A_172 = arith.constant 0 : i32
        %dma_start3A_173 = tpu.memref_slice %arg8[%add3A_5, %dma_start3A_172] : memref<10240x128xf32, #tpu.memory_space<vmem_shared>> -> memref<128x128xf32, #tpu.memory_space<vmem_shared>>
        tpu.enqueue_dma source(%arg4 : memref<128x128xf32, #tpu.memory_space<hbm>>) target(%dma_start3A_173 : memref<128x128xf32, #tpu.memory_space<vmem_shared>>) target_semaphore(%run_scoped3A : memref<!tpu.dma_semaphore, #tpu.memory_space<semaphore_mem>>)
        %dma_wait3A_174 = arith.constant 0 : i32
        %dma_wait3A_175 = tpu.memref_slice %arg8[%add3A_5, %dma_wait3A_174] : memref<10240x128xf32, #tpu.memory_space<vmem_shared>> -> memref<128x128xf32, #tpu.memory_space<vmem_shared>>
        tpu.wait_dma2 semaphore(%run_scoped3A : memref<!tpu.dma_semaphore, #tpu.memory_space<semaphore_mem>>) src(%arg4 : memref<128x128xf32, #tpu.memory_space<hbm>>) dst(%dma_wait3A_175 : memref<128x128xf32, #tpu.memory_space<vmem_shared>>)
        tpu.yield
      }) : () -> ()
      %add3A_6 = arith.constant 256 : i32
      %add3A_7 = arith.addi %mul3A_2, %add3A_6 : i32
      "tpu.region"() ({
        %run_scoped3A = tpu.sem_alloc : memref<!tpu.dma_semaphore, #tpu.memory_space<semaphore_mem>>
        %dma_start3A_172 = arith.constant 0 : i32
        %dma_start3A_173 = tpu.memref_slice %arg8[%add3A_7, %dma_start3A_172] : memref<10240x128xf32, #tpu.memory_space<vmem_shared>> -> memref<128x128xf32, #tpu.memory_space<vmem_shared>>
        tpu.enqueue_dma source(%arg4 : memref<128x128xf32, #tpu.memory_space<hbm>>) target(%dma_start3A_173 : memref<128x128xf32, #tpu.memory_space<vmem_shared>>) target_semaphore(%run_scoped3A : memref<!tpu.dma_semaphore, #tpu.memory_space<semaphore_mem>>)
        %dma_wait3A_174 = arith.constant 0 : i32
        %dma_wait3A_175 = tpu.memref_slice %arg8[%add3A_7, %dma_wait3A_174] : memref<10240x128xf32, #tpu.memory_space<vmem_shared>> -> memref<128x128xf32, #tpu.memory_space<vmem_shared>>
        tpu.wait_dma2 semaphore(%run_scoped3A : memref<!tpu.dma_semaphore, #tpu.memory_space<semaphore_mem>>) src(%arg4 : memref<128x128xf32, #tpu.memory_space<hbm>>) dst(%dma_wait3A_175 : memref<128x128xf32, #tpu.memory_space<vmem_shared>>)
        tpu.yield
      }) : () -> ()
      %add3A_8 = arith.constant 384 : i32
      %add3A_9 = arith.addi %mul3A_2, %add3A_8 : i32
      "tpu.region"() ({
        %run_scoped3A = tpu.sem_alloc : memref<!tpu.dma_semaphore, #tpu.memory_space<semaphore_mem>>
        %dma_start3A_172 = arith.constant 0 : i32
        %dma_start3A_173 = tpu.memref_slice %arg8[%add3A_9, %dma_start3A_172] : memref<10240x128xf32, #tpu.memory_space<vmem_shared>> -> memref<128x128xf32, #tpu.memory_space<vmem_shared>>
        tpu.enqueue_dma source(%arg4 : memref<128x128xf32, #tpu.memory_space<hbm>>) target(%dma_start3A_173 : memref<128x128xf32, #tpu.memory_space<vmem_shared>>) target_semaphore(%run_scoped3A : memref<!tpu.dma_semaphore, #tpu.memory_space<semaphore_mem>>)
        %dma_wait3A_174 = arith.constant 0 : i32
        %dma_wait3A_175 = tpu.memref_slice %arg8[%add3A_9, %dma_wait3A_174] : memref<10240x128xf32, #tpu.memory_space<vmem_shared>> -> memref<128x128xf32, #tpu.memory_space<vmem_shared>>
        tpu.wait_dma2 semaphore(%run_scoped3A : memref<!tpu.dma_semaphore, #tpu.memory_space<semaphore_mem>>) src(%arg4 : memref<128x128xf32, #tpu.memory_space<hbm>>) dst(%dma_wait3A_175 : memref<128x128xf32, #tpu.memory_space<vmem_shared>>)
        tpu.yield
      }) : () -> ()
      %add3A_10 = arith.constant 512 : i32
      %add3A_11 = arith.addi %mul3A_2, %add3A_10 : i32
      "tpu.region"() ({
        %run_scoped3A = tpu.sem_alloc : memref<!tpu.dma_semaphore, #tpu.memory_space<semaphore_mem>>
        %dma_start3A_172 = arith.constant 0 : i32
        %dma_start3A_173 = tpu.memref_slice %arg8[%add3A_11, %dma_start3A_172] : memref<10240x128xf32, #tpu.memory_space<vmem_shared>> -> memref<128x128xf32, #tpu.memory_space<vmem_shared>>
        tpu.enqueue_dma source(%arg4 : memref<128x128xf32, #tpu.memory_space<hbm>>) target(%dma_start3A_173 : memref<128x128xf32, #tpu.memory_space<vmem_shared>>) target_semaphore(%run_scoped3A : memref<!tpu.dma_semaphore, #tpu.memory_space<semaphore_mem>>)
        %dma_wait3A_174 = arith.constant 0 : i32
        %dma_wait3A_175 = tpu.memref_slice %arg8[%add3A_11, %dma_wait3A_174] : memref<10240x128xf32, #tpu.memory_space<vmem_shared>> -> memref<128x128xf32, #tpu.memory_space<vmem_shared>>
        tpu.wait_dma2 semaphore(%run_scoped3A : memref<!tpu.dma_semaphore, #tpu.memory_space<semaphore_mem>>) src(%arg4 : memref<128x128xf32, #tpu.memory_space<hbm>>) dst(%dma_wait3A_175 : memref<128x128xf32, #tpu.memory_space<vmem_shared>>)
        tpu.yield
      }) : () -> ()
      %barrier3A = arith.constant 0 : index
      tpu.barrier barrier_id(%barrier3A)
      %dma_start3A = arith.constant 0 : i32
      %dma_start3A_12 = arith.constant 0 : i32
      %dma_start3A_13 = arith.constant 0 : i32
      %dma_start3A_14 = arith.constant 0 : i32
      %dma_start3A_15 = arith.constant 0 : i32
      %dma_start3A_16 = tpu.memref_slice %arg6[%dma_start3A_12, %dma_start3A_14, %dma_start3A_15] : memref<6x2x120xi32, #tpu.memory_space<vmem>> -> memref<1x2x120xi32, #tpu.memory_space<vmem>>
      %dma_start3A_17 = tpu.memref_squeeze %dma_start3A_16 : memref<1x2x120xi32, #tpu.memory_space<vmem>> -> memref<2x120xi32, #tpu.memory_space<vmem>>
      %dma_start3A_18 = arith.constant 0 : i32
      %dma_start3A_19 = arith.constant 0 : i32
      %dma_start3A_20 = tpu.memref_slice %arg3[%arg1, %dma_start3A, %dma_start3A_18, %dma_start3A_19] : memref<16x168x2x120xi32, #tpu.memory_space<hbm>> -> memref<1x1x2x120xi32, #tpu.memory_space<hbm>>
      %dma_start3A_21 = tpu.memref_squeeze %dma_start3A_20 : memref<1x1x2x120xi32, #tpu.memory_space<hbm>> -> memref<2x120xi32, #tpu.memory_space<hbm>>
      %dma_start3A_22 = tpu.memref_slice %arg9[%dma_start3A_13] : memref<6x!tpu.dma_semaphore, #tpu.memory_space<semaphore_mem>> -> memref<1x!tpu.dma_semaphore, #tpu.memory_space<semaphore_mem>>
      %dma_start3A_23 = tpu.memref_squeeze %dma_start3A_22 : memref<1x!tpu.dma_semaphore, #tpu.memory_space<semaphore_mem>> -> memref<!tpu.dma_semaphore, #tpu.memory_space<semaphore_mem>>
      %dma_start3A_24 = arith.constant 0 : i32
      %dma_start3A_25 = arith.constant 0 : i32
      %dma_start3A_26 = tpu.memref_slice %arg6[%dma_start3A_12, %dma_start3A_24, %dma_start3A_25] : memref<6x2x120xi32, #tpu.memory_space<vmem>> -> memref<1x2x120xi32, #tpu.memory_space<vmem>>
      %dma_start3A_27 = tpu.memref_squeeze %dma_start3A_26 : memref<1x2x120xi32, #tpu.memory_space<vmem>> -> memref<2x120xi32, #tpu.memory_space<vmem>>
      %dma_start3A_28 = arith.constant 0 : i32
      %dma_start3A_29 = arith.constant 0 : i32
      %dma_start3A_30 = tpu.memref_slice %arg3[%arg1, %dma_start3A, %dma_start3A_28, %dma_start3A_29] : memref<16x168x2x120xi32, #tpu.memory_space<hbm>> -> memref<1x1x2x120xi32, #tpu.memory_space<hbm>>
      %dma_start3A_31 = tpu.memref_squeeze %dma_start3A_30 : memref<1x1x2x120xi32, #tpu.memory_space<hbm>> -> memref<2x120xi32, #tpu.memory_space<hbm>>
      tpu.enqueue_dma source(%dma_start3A_31 : memref<2x120xi32, #tpu.memory_space<hbm>>) target(%dma_start3A_27 : memref<2x120xi32, #tpu.memory_space<vmem>>) target_semaphore(%dma_start3A_23 : memref<!tpu.dma_semaphore, #tpu.memory_space<semaphore_mem>>)
      %dma_start3A_32 = arith.constant 1 : i32
      %dma_start3A_33 = arith.constant 1 : i32
      %dma_start3A_34 = arith.constant 1 : i32
      %dma_start3A_35 = arith.constant 0 : i32
      %dma_start3A_36 = arith.constant 0 : i32
      %dma_start3A_37 = tpu.memref_slice %arg6[%dma_start3A_33, %dma_start3A_35, %dma_start3A_36] : memref<6x2x120xi32, #tpu.memory_space<vmem>> -> memref<1x2x120xi32, #tpu.memory_space<vmem>>
      %dma_start3A_38 = tpu.memref_squeeze %dma_start3A_37 : memref<1x2x120xi32, #tpu.memory_space<vmem>> -> memref<2x120xi32, #tpu.memory_space<vmem>>
      %dma_start3A_39 = arith.constant 0 : i32
      %dma_start3A_40 = arith.constant 0 : i32
      %dma_start3A_41 = tpu.memref_slice %arg3[%arg1, %dma_start3A_32, %dma_start3A_39, %dma_start3A_40] : memref<16x168x2x120xi32, #tpu.memory_space<hbm>> -> memref<1x1x2x120xi32, #tpu.memory_space<hbm>>
      %dma_start3A_42 = tpu.memref_squeeze %dma_start3A_41 : memref<1x1x2x120xi32, #tpu.memory_space<hbm>> -> memref<2x120xi32, #tpu.memory_space<hbm>>
      %dma_start3A_43 = tpu.memref_slice %arg9[%dma_start3A_34] : memref<6x!tpu.dma_semaphore, #tpu.memory_space<semaphore_mem>> -> memref<1x!tpu.dma_semaphore, #tpu.memory_space<semaphore_mem>>
      %dma_start3A_44 = tpu.memref_squeeze %dma_start3A_43 : memref<1x!tpu.dma_semaphore, #tpu.memory_space<semaphore_mem>> -> memref<!tpu.dma_semaphore, #tpu.memory_space<semaphore_mem>>
      %dma_start3A_45 = arith.constant 0 : i32
      %dma_start3A_46 = arith.constant 0 : i32
      %dma_start3A_47 = tpu.memref_slice %arg6[%dma_start3A_33, %dma_start3A_45, %dma_start3A_46] : memref<6x2x120xi32, #tpu.memory_space<vmem>> -> memref<1x2x120xi32, #tpu.memory_space<vmem>>
      %dma_start3A_48 = tpu.memref_squeeze %dma_start3A_47 : memref<1x2x120xi32, #tpu.memory_space<vmem>> -> memref<2x120xi32, #tpu.memory_space<vmem>>
      %dma_start3A_49 = arith.constant 0 : i32
      %dma_start3A_50 = arith.constant 0 : i32
      %dma_start3A_51 = tpu.memref_slice %arg3[%arg1, %dma_start3A_32, %dma_start3A_49, %dma_start3A_50] : memref<16x168x2x120xi32, #tpu.memory_space<hbm>> -> memref<1x1x2x120xi32, #tpu.memory_space<hbm>>
      %dma_start3A_52 = tpu.memref_squeeze %dma_start3A_51 : memref<1x1x2x120xi32, #tpu.memory_space<hbm>> -> memref<2x120xi32, #tpu.memory_space<hbm>>
      tpu.enqueue_dma source(%dma_start3A_52 : memref<2x120xi32, #tpu.memory_space<hbm>>) target(%dma_start3A_48 : memref<2x120xi32, #tpu.memory_space<vmem>>) target_semaphore(%dma_start3A_44 : memref<!tpu.dma_semaphore, #tpu.memory_space<semaphore_mem>>)
      %dma_start3A_53 = arith.constant 2 : i32
      %dma_start3A_54 = arith.constant 2 : i32
      %dma_start3A_55 = arith.constant 2 : i32
      %dma_start3A_56 = arith.constant 0 : i32
      %dma_start3A_57 = arith.constant 0 : i32
      %dma_start3A_58 = tpu.memref_slice %arg6[%dma_start3A_54, %dma_start3A_56, %dma_start3A_57] : memref<6x2x120xi32, #tpu.memory_space<vmem>> -> memref<1x2x120xi32, #tpu.memory_space<vmem>>
      %dma_start3A_59 = tpu.memref_squeeze %dma_start3A_58 : memref<1x2x120xi32, #tpu.memory_space<vmem>> -> memref<2x120xi32, #tpu.memory_space<vmem>>
      %dma_start3A_60 = arith.constant 0 : i32
      %dma_start3A_61 = arith.constant 0 : i32
      %dma_start3A_62 = tpu.memref_slice %arg3[%arg1, %dma_start3A_53, %dma_start3A_60, %dma_start3A_61] : memref<16x168x2x120xi32, #tpu.memory_space<hbm>> -> memref<1x1x2x120xi32, #tpu.memory_space<hbm>>
      %dma_start3A_63 = tpu.memref_squeeze %dma_start3A_62 : memref<1x1x2x120xi32, #tpu.memory_space<hbm>> -> memref<2x120xi32, #tpu.memory_space<hbm>>
      %dma_start3A_64 = tpu.memref_slice %arg9[%dma_start3A_55] : memref<6x!tpu.dma_semaphore, #tpu.memory_space<semaphore_mem>> -> memref<1x!tpu.dma_semaphore, #tpu.memory_space<semaphore_mem>>
      %dma_start3A_65 = tpu.memref_squeeze %dma_start3A_64 : memref<1x!tpu.dma_semaphore, #tpu.memory_space<semaphore_mem>> -> memref<!tpu.dma_semaphore, #tpu.memory_space<semaphore_mem>>
      %dma_start3A_66 = arith.constant 0 : i32
      %dma_start3A_67 = arith.constant 0 : i32
      %dma_start3A_68 = tpu.memref_slice %arg6[%dma_start3A_54, %dma_start3A_66, %dma_start3A_67] : memref<6x2x120xi32, #tpu.memory_space<vmem>> -> memref<1x2x120xi32, #tpu.memory_space<vmem>>
      %dma_start3A_69 = tpu.memref_squeeze %dma_start3A_68 : memref<1x2x120xi32, #tpu.memory_space<vmem>> -> memref<2x120xi32, #tpu.memory_space<vmem>>
      %dma_start3A_70 = arith.constant 0 : i32
      %dma_start3A_71 = arith.constant 0 : i32
      %dma_start3A_72 = tpu.memref_slice %arg3[%arg1, %dma_start3A_53, %dma_start3A_70, %dma_start3A_71] : memref<16x168x2x120xi32, #tpu.memory_space<hbm>> -> memref<1x1x2x120xi32, #tpu.memory_space<hbm>>
      %dma_start3A_73 = tpu.memref_squeeze %dma_start3A_72 : memref<1x1x2x120xi32, #tpu.memory_space<hbm>> -> memref<2x120xi32, #tpu.memory_space<hbm>>
      tpu.enqueue_dma source(%dma_start3A_73 : memref<2x120xi32, #tpu.memory_space<hbm>>) target(%dma_start3A_69 : memref<2x120xi32, #tpu.memory_space<vmem>>) target_semaphore(%dma_start3A_65 : memref<!tpu.dma_semaphore, #tpu.memory_space<semaphore_mem>>)
      %dma_wait3A = arith.constant 0 : i32
      %dma_wait3A_74 = arith.constant 0 : i32
      %dma_wait3A_75 = arith.constant 0 : i32
      %dma_wait3A_76 = arith.constant 0 : i32
      %dma_wait3A_77 = arith.constant 0 : i32
      %dma_wait3A_78 = tpu.memref_slice %arg6[%dma_wait3A_74, %dma_wait3A_76, %dma_wait3A_77] : memref<6x2x120xi32, #tpu.memory_space<vmem>> -> memref<1x2x120xi32, #tpu.memory_space<vmem>>
      %dma_wait3A_79 = tpu.memref_squeeze %dma_wait3A_78 : memref<1x2x120xi32, #tpu.memory_space<vmem>> -> memref<2x120xi32, #tpu.memory_space<vmem>>
      %dma_wait3A_80 = arith.constant 0 : i32
      %dma_wait3A_81 = arith.constant 0 : i32
      %dma_wait3A_82 = tpu.memref_slice %arg3[%arg1, %dma_wait3A, %dma_wait3A_80, %dma_wait3A_81] : memref<16x168x2x120xi32, #tpu.memory_space<hbm>> -> memref<1x1x2x120xi32, #tpu.memory_space<hbm>>
      %dma_wait3A_83 = tpu.memref_squeeze %dma_wait3A_82 : memref<1x1x2x120xi32, #tpu.memory_space<hbm>> -> memref<2x120xi32, #tpu.memory_space<hbm>>
      %dma_wait3A_84 = tpu.memref_slice %arg9[%dma_wait3A_75] : memref<6x!tpu.dma_semaphore, #tpu.memory_space<semaphore_mem>> -> memref<1x!tpu.dma_semaphore, #tpu.memory_space<semaphore_mem>>
      %dma_wait3A_85 = tpu.memref_squeeze %dma_wait3A_84 : memref<1x!tpu.dma_semaphore, #tpu.memory_space<semaphore_mem>> -> memref<!tpu.dma_semaphore, #tpu.memory_space<semaphore_mem>>
      %dma_wait3A_86 = arith.constant 0 : i32
      %dma_wait3A_87 = arith.constant 0 : i32
      %dma_wait3A_88 = tpu.memref_slice %arg6[%dma_wait3A_74, %dma_wait3A_86, %dma_wait3A_87] : memref<6x2x120xi32, #tpu.memory_space<vmem>> -> memref<1x2x120xi32, #tpu.memory_space<vmem>>
      %dma_wait3A_89 = tpu.memref_squeeze %dma_wait3A_88 : memref<1x2x120xi32, #tpu.memory_space<vmem>> -> memref<2x120xi32, #tpu.memory_space<vmem>>
      %dma_wait3A_90 = arith.constant 0 : i32
      %dma_wait3A_91 = arith.constant 0 : i32
      %dma_wait3A_92 = tpu.memref_slice %arg3[%arg1, %dma_wait3A, %dma_wait3A_90, %dma_wait3A_91] : memref<16x168x2x120xi32, #tpu.memory_space<hbm>> -> memref<1x1x2x120xi32, #tpu.memory_space<hbm>>
      %dma_wait3A_93 = tpu.memref_squeeze %dma_wait3A_92 : memref<1x1x2x120xi32, #tpu.memory_space<hbm>> -> memref<2x120xi32, #tpu.memory_space<hbm>>
      tpu.wait_dma2 semaphore(%dma_wait3A_85 : memref<!tpu.dma_semaphore, #tpu.memory_space<semaphore_mem>>) src(%dma_wait3A_93 : memref<2x120xi32, #tpu.memory_space<hbm>>) dst(%dma_wait3A_89 : memref<2x120xi32, #tpu.memory_space<vmem>>)
      %dma_start3A_94 = arith.constant 0 : i32
      %dma_start3A_95 = arith.constant 0 : i32
      %dma_start3A_96 = arith.constant 0 : i32
      %dma_start3A_97 = arith.constant 0 : i32
      %dma_start3A_98 = arith.constant 0 : i32
      %dma_start3A_99 = arith.constant 0 : i32
      %dma_start3A_100 = tpu.memref_slice %arg7[%dma_start3A_96, %dma_start3A_98, %dma_start3A_99] : memref<3x120x128xf32, #tpu.memory_space<vmem>> -> memref<1x120x128xf32, #tpu.memory_space<vmem>>
      %dma_start3A_101 = tpu.memref_squeeze %dma_start3A_100 : memref<1x120x128xf32, #tpu.memory_space<vmem>> -> memref<120x128xf32, #tpu.memory_space<vmem>>
      %dma_start3A_102 = arith.constant 0 : i32
      %dma_start3A_103 = tpu.memref_slice %arg6[%dma_start3A_94, %dma_start3A_95, %dma_start3A_102] : memref<6x2x120xi32, #tpu.memory_space<vmem>> -> memref<1x1x120xi32, #tpu.memory_space<vmem>>
      %dma_start3A_104 = tpu.memref_squeeze %dma_start3A_103 : memref<1x1x120xi32, #tpu.memory_space<vmem>> -> memref<120xi32, #tpu.memory_space<vmem>>
      %dma_start3A_105 = arith.constant 0 : i32
      %dma_start3A_106 = arith.constant 0 : i32
      %dma_start3A_107 = tpu.memref_slice %arg2[%dma_start3A_105, %dma_start3A_106] : memref<80000x128xf32, #tpu.memory_space<hbm>> -> memref<80000x128xf32, #tpu.memory_space<hbm>>
      %dma_start3A_108 = tpu.memref_slice %arg10[%dma_start3A_97] : memref<3x!tpu.dma_semaphore, #tpu.memory_space<semaphore_mem>> -> memref<1x!tpu.dma_semaphore, #tpu.memory_space<semaphore_mem>>
      %dma_start3A_109 = tpu.memref_squeeze %dma_start3A_108 : memref<1x!tpu.dma_semaphore, #tpu.memory_space<semaphore_mem>> -> memref<!tpu.dma_semaphore, #tpu.memory_space<semaphore_mem>>
      tpu.enqueue_indirect_dma source(%dma_start3A_107 : memref<80000x128xf32, #tpu.memory_space<hbm>>) target(%dma_start3A_101 : memref<120x128xf32, #tpu.memory_space<vmem>>) offsets(%dma_start3A_104 : memref<120xi32, #tpu.memory_space<vmem>>) semaphore(%dma_start3A_109 : memref<!tpu.dma_semaphore, #tpu.memory_space<semaphore_mem>>)
      %scan3A = arith.constant 0 : i32
      %scan3A_110 = arith.constant 28 : i32
      %scan3A_111 = arith.addi %scan3A, %scan3A_110 : i32
      %scan3A_112 = arith.constant 1 : i32
      scf.for %scan3A_172 = %scan3A to %scan3A_111 step %scan3A_112  : i32 {
        %mul3A_173 = arith.constant 6 : i32
        %mul3A_174 = arith.muli %scan3A_172, %mul3A_173 : i32
        %add3A_175 = arith.constant 0 : i32
        %add3A_176 = arith.addi %add3A_175, %mul3A_174 : i32
        %add3A_177 = arith.constant 0 : i32
        %add3A_178 = arith.addi %add3A_176, %add3A_177 : i32
        %add3A_179 = arith.constant 1 : i32
        %add3A_180 = arith.addi %add3A_178, %add3A_179 : i32
        %lt3A_181 = arith.constant 168 : i32
        %lt3A_182 = arith.cmpi slt, %add3A_180, %lt3A_181 : i32
        %convert_element_type3A_183 = arith.extui %lt3A_182 : i1 to i32
        %cond3A_184 = arith.constant 0 : i32
        %cond3A_185 = arith.cmpi ne, %convert_element_type3A_183, %cond3A_184 : i32
        scf.if %cond3A_185 {
          %add3A_465 = arith.constant 1 : i32
          %add3A_466 = arith.addi %add3A_178, %add3A_465 : i32
          %dma_wait3A_467 = arith.constant 1 : i32
          %dma_wait3A_468 = arith.constant 1 : i32
          %dma_wait3A_469 = arith.constant 0 : i32
          %dma_wait3A_470 = arith.constant 0 : i32
          %dma_wait3A_471 = tpu.memref_slice %arg6[%dma_wait3A_467, %dma_wait3A_469, %dma_wait3A_470] : memref<6x2x120xi32, #tpu.memory_space<vmem>> -> memref<1x2x120xi32, #tpu.memory_space<vmem>>
          %dma_wait3A_472 = tpu.memref_squeeze %dma_wait3A_471 : memref<1x2x120xi32, #tpu.memory_space<vmem>> -> memref<2x120xi32, #tpu.memory_space<vmem>>
          %dma_wait3A_473 = arith.constant 0 : i32
          %dma_wait3A_474 = arith.constant 0 : i32
          %dma_wait3A_475 = tpu.memref_slice %arg3[%arg1, %add3A_466, %dma_wait3A_473, %dma_wait3A_474] : memref<16x168x2x120xi32, #tpu.memory_space<hbm>> -> memref<1x1x2x120xi32, #tpu.memory_space<hbm>>
          %dma_wait3A_476 = tpu.memref_squeeze %dma_wait3A_475 : memref<1x1x2x120xi32, #tpu.memory_space<hbm>> -> memref<2x120xi32, #tpu.memory_space<hbm>>
          %dma_wait3A_477 = tpu.memref_slice %arg9[%dma_wait3A_468] : memref<6x!tpu.dma_semaphore, #tpu.memory_space<semaphore_mem>> -> memref<1x!tpu.dma_semaphore, #tpu.memory_space<semaphore_mem>>
          %dma_wait3A_478 = tpu.memref_squeeze %dma_wait3A_477 : memref<1x!tpu.dma_semaphore, #tpu.memory_space<semaphore_mem>> -> memref<!tpu.dma_semaphore, #tpu.memory_space<semaphore_mem>>
          %dma_wait3A_479 = arith.constant 0 : i32
          %dma_wait3A_480 = arith.constant 0 : i32
          %dma_wait3A_481 = tpu.memref_slice %arg6[%dma_wait3A_467, %dma_wait3A_479, %dma_wait3A_480] : memref<6x2x120xi32, #tpu.memory_space<vmem>> -> memref<1x2x120xi32, #tpu.memory_space<vmem>>
          %dma_wait3A_482 = tpu.memref_squeeze %dma_wait3A_481 : memref<1x2x120xi32, #tpu.memory_space<vmem>> -> memref<2x120xi32, #tpu.memory_space<vmem>>
          %dma_wait3A_483 = arith.constant 0 : i32
          %dma_wait3A_484 = arith.constant 0 : i32
          %dma_wait3A_485 = tpu.memref_slice %arg3[%arg1, %add3A_466, %dma_wait3A_483, %dma_wait3A_484] : memref<16x168x2x120xi32, #tpu.memory_space<hbm>> -> memref<1x1x2x120xi32, #tpu.memory_space<hbm>>
          %dma_wait3A_486 = tpu.memref_squeeze %dma_wait3A_485 : memref<1x1x2x120xi32, #tpu.memory_space<hbm>> -> memref<2x120xi32, #tpu.memory_space<hbm>>
          tpu.wait_dma2 semaphore(%dma_wait3A_478 : memref<!tpu.dma_semaphore, #tpu.memory_space<semaphore_mem>>) src(%dma_wait3A_486 : memref<2x120xi32, #tpu.memory_space<hbm>>) dst(%dma_wait3A_482 : memref<2x120xi32, #tpu.memory_space<vmem>>)
          %ge3A = arith.constant 2 : i32
          %ge3A_487 = arith.cmpi sge, %add3A_178, %ge3A : i32
          %convert_element_type3A_488 = arith.extui %ge3A_487 : i1 to i32
          %cond3A_489 = arith.constant 0 : i32
          %cond3A_490 = arith.cmpi ne, %convert_element_type3A_488, %cond3A_489 : i32
          scf.if %cond3A_490 {
            %dma_wait3A_507 = arith.constant 1 : i32
            %dma_wait3A_508 = arith.constant 4 : i32
            %dma_wait3A_509 = arith.constant 1 : i32
            %dma_wait3A_510 = arith.constant 1 : i32
            %dma_wait3A_511 = arith.constant 0 : i32
            %dma_wait3A_512 = arith.constant 0 : i32
            %dma_wait3A_513 = tpu.memref_slice %arg7[%dma_wait3A_507, %dma_wait3A_511, %dma_wait3A_512] : memref<3x120x128xf32, #tpu.memory_space<vmem>> -> memref<1x120x128xf32, #tpu.memory_space<vmem>>
            %dma_wait3A_514 = tpu.memref_squeeze %dma_wait3A_513 : memref<1x120x128xf32, #tpu.memory_space<vmem>> -> memref<120x128xf32, #tpu.memory_space<vmem>>
            %dma_wait3A_515 = arith.constant 0 : i32
            %dma_wait3A_516 = tpu.memref_slice %arg6[%dma_wait3A_508, %dma_wait3A_509, %dma_wait3A_515] : memref<6x2x120xi32, #tpu.memory_space<vmem>> -> memref<1x1x120xi32, #tpu.memory_space<vmem>>
            %dma_wait3A_517 = tpu.memref_squeeze %dma_wait3A_516 : memref<1x1x120xi32, #tpu.memory_space<vmem>> -> memref<120xi32, #tpu.memory_space<vmem>>
            %dma_wait3A_518 = arith.constant 0 : i32
            %dma_wait3A_519 = arith.constant 0 : i32
            %dma_wait3A_520 = tpu.memref_slice %arg8[%dma_wait3A_518, %dma_wait3A_519] : memref<10240x128xf32, #tpu.memory_space<vmem_shared>> -> memref<10240x128xf32, #tpu.memory_space<vmem_shared>>
            %dma_wait3A_521 = tpu.memref_slice %arg11[%dma_wait3A_510] : memref<3x!tpu.dma_semaphore, #tpu.memory_space<semaphore_mem>> -> memref<1x!tpu.dma_semaphore, #tpu.memory_space<semaphore_mem>>
            %dma_wait3A_522 = tpu.memref_squeeze %dma_wait3A_521 : memref<1x!tpu.dma_semaphore, #tpu.memory_space<semaphore_mem>> -> memref<!tpu.dma_semaphore, #tpu.memory_space<semaphore_mem>>
            tpu.wait_indirect_dma semaphore(%dma_wait3A_522 : memref<!tpu.dma_semaphore, #tpu.memory_space<semaphore_mem>>) src(%dma_wait3A_514 : memref<120x128xf32, #tpu.memory_space<vmem>>) dst(%dma_wait3A_520 : memref<10240x128xf32, #tpu.memory_space<vmem_shared>>)
          } else {
          }
          %dma_start3A_491 = arith.constant 1 : i32
          %dma_start3A_492 = arith.constant 0 : i32
          %dma_start3A_493 = arith.constant 1 : i32
          %dma_start3A_494 = arith.constant 1 : i32
          %dma_start3A_495 = arith.constant 0 : i32
          %dma_start3A_496 = arith.constant 0 : i32
          %dma_start3A_497 = tpu.memref_slice %arg7[%dma_start3A_493, %dma_start3A_495, %dma_start3A_496] : memref<3x120x128xf32, #tpu.memory_space<vmem>> -> memref<1x120x128xf32, #tpu.memory_space<vmem>>
          %dma_start3A_498 = tpu.memref_squeeze %dma_start3A_497 : memref<1x120x128xf32, #tpu.memory_space<vmem>> -> memref<120x128xf32, #tpu.memory_space<vmem>>
          %dma_start3A_499 = arith.constant 0 : i32
          %dma_start3A_500 = tpu.memref_slice %arg6[%dma_start3A_491, %dma_start3A_492, %dma_start3A_499] : memref<6x2x120xi32, #tpu.memory_space<vmem>> -> memref<1x1x120xi32, #tpu.memory_space<vmem>>
          %dma_start3A_501 = tpu.memref_squeeze %dma_start3A_500 : memref<1x1x120xi32, #tpu.memory_space<vmem>> -> memref<120xi32, #tpu.memory_space<vmem>>
          %dma_start3A_502 = arith.constant 0 : i32
          %dma_start3A_503 = arith.constant 0 : i32
          %dma_start3A_504 = tpu.memref_slice %arg2[%dma_start3A_502, %dma_start3A_503] : memref<80000x128xf32, #tpu.memory_space<hbm>> -> memref<80000x128xf32, #tpu.memory_space<hbm>>
          %dma_start3A_505 = tpu.memref_slice %arg10[%dma_start3A_494] : memref<3x!tpu.dma_semaphore, #tpu.memory_space<semaphore_mem>> -> memref<1x!tpu.dma_semaphore, #tpu.memory_space<semaphore_mem>>
          %dma_start3A_506 = tpu.memref_squeeze %dma_start3A_505 : memref<1x!tpu.dma_semaphore, #tpu.memory_space<semaphore_mem>> -> memref<!tpu.dma_semaphore, #tpu.memory_space<semaphore_mem>>
          tpu.enqueue_indirect_dma source(%dma_start3A_504 : memref<80000x128xf32, #tpu.memory_space<hbm>>) target(%dma_start3A_498 : memref<120x128xf32, #tpu.memory_space<vmem>>) offsets(%dma_start3A_501 : memref<120xi32, #tpu.memory_space<vmem>>) semaphore(%dma_start3A_506 : memref<!tpu.dma_semaphore, #tpu.memory_space<semaphore_mem>>)
        } else {
        }
        %add3A_186 = arith.constant 3 : i32
        %add3A_187 = arith.addi %add3A_178, %add3A_186 : i32
        %lt3A_188 = arith.constant 168 : i32
        %lt3A_189 = arith.cmpi slt, %add3A_187, %lt3A_188 : i32
        %convert_element_type3A_190 = arith.extui %lt3A_189 : i1 to i32
        %cond3A_191 = arith.constant 0 : i32
        %cond3A_192 = arith.cmpi ne, %convert_element_type3A_190, %cond3A_191 : i32
        scf.if %cond3A_192 {
          %add3A_465 = arith.constant 3 : i32
          %add3A_466 = arith.addi %add3A_178, %add3A_465 : i32
          %dma_start3A_467 = arith.constant 3 : i32
          %dma_start3A_468 = arith.constant 3 : i32
          %dma_start3A_469 = arith.constant 0 : i32
          %dma_start3A_470 = arith.constant 0 : i32
          %dma_start3A_471 = tpu.memref_slice %arg6[%dma_start3A_467, %dma_start3A_469, %dma_start3A_470] : memref<6x2x120xi32, #tpu.memory_space<vmem>> -> memref<1x2x120xi32, #tpu.memory_space<vmem>>
          %dma_start3A_472 = tpu.memref_squeeze %dma_start3A_471 : memref<1x2x120xi32, #tpu.memory_space<vmem>> -> memref<2x120xi32, #tpu.memory_space<vmem>>
          %dma_start3A_473 = arith.constant 0 : i32
          %dma_start3A_474 = arith.constant 0 : i32
          %dma_start3A_475 = tpu.memref_slice %arg3[%arg1, %add3A_466, %dma_start3A_473, %dma_start3A_474] : memref<16x168x2x120xi32, #tpu.memory_space<hbm>> -> memref<1x1x2x120xi32, #tpu.memory_space<hbm>>
          %dma_start3A_476 = tpu.memref_squeeze %dma_start3A_475 : memref<1x1x2x120xi32, #tpu.memory_space<hbm>> -> memref<2x120xi32, #tpu.memory_space<hbm>>
          %dma_start3A_477 = tpu.memref_slice %arg9[%dma_start3A_468] : memref<6x!tpu.dma_semaphore, #tpu.memory_space<semaphore_mem>> -> memref<1x!tpu.dma_semaphore, #tpu.memory_space<semaphore_mem>>
          %dma_start3A_478 = tpu.memref_squeeze %dma_start3A_477 : memref<1x!tpu.dma_semaphore, #tpu.memory_space<semaphore_mem>> -> memref<!tpu.dma_semaphore, #tpu.memory_space<semaphore_mem>>
          %dma_start3A_479 = arith.constant 0 : i32
          %dma_start3A_480 = arith.constant 0 : i32
          %dma_start3A_481 = tpu.memref_slice %arg6[%dma_start3A_467, %dma_start3A_479, %dma_start3A_480] : memref<6x2x120xi32, #tpu.memory_space<vmem>> -> memref<1x2x120xi32, #tpu.memory_space<vmem>>
          %dma_start3A_482 = tpu.memref_squeeze %dma_start3A_481 : memref<1x2x120xi32, #tpu.memory_space<vmem>> -> memref<2x120xi32, #tpu.memory_space<vmem>>
          %dma_start3A_483 = arith.constant 0 : i32
          %dma_start3A_484 = arith.constant 0 : i32
          %dma_start3A_485 = tpu.memref_slice %arg3[%arg1, %add3A_466, %dma_start3A_483, %dma_start3A_484] : memref<16x168x2x120xi32, #tpu.memory_space<hbm>> -> memref<1x1x2x120xi32, #tpu.memory_space<hbm>>
          %dma_start3A_486 = tpu.memref_squeeze %dma_start3A_485 : memref<1x1x2x120xi32, #tpu.memory_space<hbm>> -> memref<2x120xi32, #tpu.memory_space<hbm>>
          tpu.enqueue_dma source(%dma_start3A_486 : memref<2x120xi32, #tpu.memory_space<hbm>>) target(%dma_start3A_482 : memref<2x120xi32, #tpu.memory_space<vmem>>) target_semaphore(%dma_start3A_478 : memref<!tpu.dma_semaphore, #tpu.memory_space<semaphore_mem>>)
        } else {
        }
        %dma_wait3A_193 = arith.constant 0 : i32
        %dma_wait3A_194 = arith.constant 0 : i32
        %dma_wait3A_195 = arith.constant 0 : i32
        %dma_wait3A_196 = arith.constant 0 : i32
        %dma_wait3A_197 = arith.constant 0 : i32
        %dma_wait3A_198 = arith.constant 0 : i32
        %dma_wait3A_199 = tpu.memref_slice %arg7[%dma_wait3A_195, %dma_wait3A_197, %dma_wait3A_198] : memref<3x120x128xf32, #tpu.memory_space<vmem>> -> memref<1x120x128xf32, #tpu.memory_space<vmem>>
        %dma_wait3A_200 = tpu.memref_squeeze %dma_wait3A_199 : memref<1x120x128xf32, #tpu.memory_space<vmem>> -> memref<120x128xf32, #tpu.memory_space<vmem>>
        %dma_wait3A_201 = arith.constant 0 : i32
        %dma_wait3A_202 = tpu.memref_slice %arg6[%dma_wait3A_193, %dma_wait3A_194, %dma_wait3A_201] : memref<6x2x120xi32, #tpu.memory_space<vmem>> -> memref<1x1x120xi32, #tpu.memory_space<vmem>>
        %dma_wait3A_203 = tpu.memref_squeeze %dma_wait3A_202 : memref<1x1x120xi32, #tpu.memory_space<vmem>> -> memref<120xi32, #tpu.memory_space<vmem>>
        %dma_wait3A_204 = arith.constant 0 : i32
        %dma_wait3A_205 = arith.constant 0 : i32
        %dma_wait3A_206 = tpu.memref_slice %arg2[%dma_wait3A_204, %dma_wait3A_205] : memref<80000x128xf32, #tpu.memory_space<hbm>> -> memref<80000x128xf32, #tpu.memory_space<hbm>>
        %dma_wait3A_207 = tpu.memref_slice %arg10[%dma_wait3A_196] : memref<3x!tpu.dma_semaphore, #tpu.memory_space<semaphore_mem>> -> memref<1x!tpu.dma_semaphore, #tpu.memory_space<semaphore_mem>>
        %dma_wait3A_208 = tpu.memref_squeeze %dma_wait3A_207 : memref<1x!tpu.dma_semaphore, #tpu.memory_space<semaphore_mem>> -> memref<!tpu.dma_semaphore, #tpu.memory_space<semaphore_mem>>
        tpu.wait_indirect_dma semaphore(%dma_wait3A_208 : memref<!tpu.dma_semaphore, #tpu.memory_space<semaphore_mem>>) src(%dma_wait3A_206 : memref<80000x128xf32, #tpu.memory_space<hbm>>) dst(%dma_wait3A_200 : memref<120x128xf32, #tpu.memory_space<vmem>>)
        %dma_start3A_209 = arith.constant 0 : i32
        %dma_start3A_210 = arith.constant 0 : i32
        %dma_start3A_211 = arith.constant 1 : i32
        %dma_start3A_212 = arith.constant 0 : i32
        %dma_start3A_213 = arith.constant 0 : i32
        %dma_start3A_214 = arith.constant 0 : i32
        %dma_start3A_215 = tpu.memref_slice %arg7[%dma_start3A_209, %dma_start3A_213, %dma_start3A_214] : memref<3x120x128xf32, #tpu.memory_space<vmem>> -> memref<1x120x128xf32, #tpu.memory_space<vmem>>
        %dma_start3A_216 = tpu.memref_squeeze %dma_start3A_215 : memref<1x120x128xf32, #tpu.memory_space<vmem>> -> memref<120x128xf32, #tpu.memory_space<vmem>>
        %dma_start3A_217 = arith.constant 0 : i32
        %dma_start3A_218 = tpu.memref_slice %arg6[%dma_start3A_210, %dma_start3A_211, %dma_start3A_217] : memref<6x2x120xi32, #tpu.memory_space<vmem>> -> memref<1x1x120xi32, #tpu.memory_space<vmem>>
        %dma_start3A_219 = tpu.memref_squeeze %dma_start3A_218 : memref<1x1x120xi32, #tpu.memory_space<vmem>> -> memref<120xi32, #tpu.memory_space<vmem>>
        %dma_start3A_220 = arith.constant 0 : i32
        %dma_start3A_221 = arith.constant 0 : i32
        %dma_start3A_222 = tpu.memref_slice %arg8[%dma_start3A_220, %dma_start3A_221] : memref<10240x128xf32, #tpu.memory_space<vmem_shared>> -> memref<10240x128xf32, #tpu.memory_space<vmem_shared>>
        %dma_start3A_223 = tpu.memref_slice %arg11[%dma_start3A_212] : memref<3x!tpu.dma_semaphore, #tpu.memory_space<semaphore_mem>> -> memref<1x!tpu.dma_semaphore, #tpu.memory_space<semaphore_mem>>
        %dma_start3A_224 = tpu.memref_squeeze %dma_start3A_223 : memref<1x!tpu.dma_semaphore, #tpu.memory_space<semaphore_mem>> -> memref<!tpu.dma_semaphore, #tpu.memory_space<semaphore_mem>>
        tpu.enqueue_indirect_dma source(%dma_start3A_216 : memref<120x128xf32, #tpu.memory_space<vmem>>) target(%dma_start3A_222 : memref<10240x128xf32, #tpu.memory_space<vmem_shared>>) offsets(%dma_start3A_219 : memref<120xi32, #tpu.memory_space<vmem>>) semaphore(%dma_start3A_224 : memref<!tpu.dma_semaphore, #tpu.memory_space<semaphore_mem>>) {add = true}
        %add3A_225 = arith.constant 1 : i32
        %add3A_226 = arith.addi %add3A_176, %add3A_225 : i32
        %add3A_227 = arith.constant 1 : i32
        %add3A_228 = arith.addi %add3A_226, %add3A_227 : i32
        %lt3A_229 = arith.constant 168 : i32
        %lt3A_230 = arith.cmpi slt, %add3A_228, %lt3A_229 : i32
        %convert_element_type3A_231 = arith.extui %lt3A_230 : i1 to i32
        %cond3A_232 = arith.constant 0 : i32
        %cond3A_233 = arith.cmpi ne, %convert_element_type3A_231, %cond3A_232 : i32
        scf.if %cond3A_233 {
          %add3A_465 = arith.constant 1 : i32
          %add3A_466 = arith.addi %add3A_226, %add3A_465 : i32
          %dma_wait3A_467 = arith.constant 2 : i32
          %dma_wait3A_468 = arith.constant 2 : i32
          %dma_wait3A_469 = arith.constant 0 : i32
          %dma_wait3A_470 = arith.constant 0 : i32
          %dma_wait3A_471 = tpu.memref_slice %arg6[%dma_wait3A_467, %dma_wait3A_469, %dma_wait3A_470] : memref<6x2x120xi32, #tpu.memory_space<vmem>> -> memref<1x2x120xi32, #tpu.memory_space<vmem>>
          %dma_wait3A_472 = tpu.memref_squeeze %dma_wait3A_471 : memref<1x2x120xi32, #tpu.memory_space<vmem>> -> memref<2x120xi32, #tpu.memory_space<vmem>>
          %dma_wait3A_473 = arith.constant 0 : i32
          %dma_wait3A_474 = arith.constant 0 : i32
          %dma_wait3A_475 = tpu.memref_slice %arg3[%arg1, %add3A_466, %dma_wait3A_473, %dma_wait3A_474] : memref<16x168x2x120xi32, #tpu.memory_space<hbm>> -> memref<1x1x2x120xi32, #tpu.memory_space<hbm>>
          %dma_wait3A_476 = tpu.memref_squeeze %dma_wait3A_475 : memref<1x1x2x120xi32, #tpu.memory_space<hbm>> -> memref<2x120xi32, #tpu.memory_space<hbm>>
          %dma_wait3A_477 = tpu.memref_slice %arg9[%dma_wait3A_468] : memref<6x!tpu.dma_semaphore, #tpu.memory_space<semaphore_mem>> -> memref<1x!tpu.dma_semaphore, #tpu.memory_space<semaphore_mem>>
          %dma_wait3A_478 = tpu.memref_squeeze %dma_wait3A_477 : memref<1x!tpu.dma_semaphore, #tpu.memory_space<semaphore_mem>> -> memref<!tpu.dma_semaphore, #tpu.memory_space<semaphore_mem>>
          %dma_wait3A_479 = arith.constant 0 : i32
          %dma_wait3A_480 = arith.constant 0 : i32
          %dma_wait3A_481 = tpu.memref_slice %arg6[%dma_wait3A_467, %dma_wait3A_479, %dma_wait3A_480] : memref<6x2x120xi32, #tpu.memory_space<vmem>> -> memref<1x2x120xi32, #tpu.memory_space<vmem>>
          %dma_wait3A_482 = tpu.memref_squeeze %dma_wait3A_481 : memref<1x2x120xi32, #tpu.memory_space<vmem>> -> memref<2x120xi32, #tpu.memory_space<vmem>>
          %dma_wait3A_483 = arith.constant 0 : i32
          %dma_wait3A_484 = arith.constant 0 : i32
          %dma_wait3A_485 = tpu.memref_slice %arg3[%arg1, %add3A_466, %dma_wait3A_483, %dma_wait3A_484] : memref<16x168x2x120xi32, #tpu.memory_space<hbm>> -> memref<1x1x2x120xi32, #tpu.memory_space<hbm>>
          %dma_wait3A_486 = tpu.memref_squeeze %dma_wait3A_485 : memref<1x1x2x120xi32, #tpu.memory_space<hbm>> -> memref<2x120xi32, #tpu.memory_space<hbm>>
          tpu.wait_dma2 semaphore(%dma_wait3A_478 : memref<!tpu.dma_semaphore, #tpu.memory_space<semaphore_mem>>) src(%dma_wait3A_486 : memref<2x120xi32, #tpu.memory_space<hbm>>) dst(%dma_wait3A_482 : memref<2x120xi32, #tpu.memory_space<vmem>>)
          %ge3A = arith.constant 2 : i32
          %ge3A_487 = arith.cmpi sge, %add3A_226, %ge3A : i32
          %convert_element_type3A_488 = arith.extui %ge3A_487 : i1 to i32
          %cond3A_489 = arith.constant 0 : i32
          %cond3A_490 = arith.cmpi ne, %convert_element_type3A_488, %cond3A_489 : i32
          scf.if %cond3A_490 {
            %dma_wait3A_507 = arith.constant 2 : i32
            %dma_wait3A_508 = arith.constant 5 : i32
            %dma_wait3A_509 = arith.constant 1 : i32
            %dma_wait3A_510 = arith.constant 2 : i32
            %dma_wait3A_511 = arith.constant 0 : i32
            %dma_wait3A_512 = arith.constant 0 : i32
            %dma_wait3A_513 = tpu.memref_slice %arg7[%dma_wait3A_507, %dma_wait3A_511, %dma_wait3A_512] : memref<3x120x128xf32, #tpu.memory_space<vmem>> -> memref<1x120x128xf32, #tpu.memory_space<vmem>>
            %dma_wait3A_514 = tpu.memref_squeeze %dma_wait3A_513 : memref<1x120x128xf32, #tpu.memory_space<vmem>> -> memref<120x128xf32, #tpu.memory_space<vmem>>
            %dma_wait3A_515 = arith.constant 0 : i32
            %dma_wait3A_516 = tpu.memref_slice %arg6[%dma_wait3A_508, %dma_wait3A_509, %dma_wait3A_515] : memref<6x2x120xi32, #tpu.memory_space<vmem>> -> memref<1x1x120xi32, #tpu.memory_space<vmem>>
            %dma_wait3A_517 = tpu.memref_squeeze %dma_wait3A_516 : memref<1x1x120xi32, #tpu.memory_space<vmem>> -> memref<120xi32, #tpu.memory_space<vmem>>
            %dma_wait3A_518 = arith.constant 0 : i32
            %dma_wait3A_519 = arith.constant 0 : i32
            %dma_wait3A_520 = tpu.memref_slice %arg8[%dma_wait3A_518, %dma_wait3A_519] : memref<10240x128xf32, #tpu.memory_space<vmem_shared>> -> memref<10240x128xf32, #tpu.memory_space<vmem_shared>>
            %dma_wait3A_521 = tpu.memref_slice %arg11[%dma_wait3A_510] : memref<3x!tpu.dma_semaphore, #tpu.memory_space<semaphore_mem>> -> memref<1x!tpu.dma_semaphore, #tpu.memory_space<semaphore_mem>>
            %dma_wait3A_522 = tpu.memref_squeeze %dma_wait3A_521 : memref<1x!tpu.dma_semaphore, #tpu.memory_space<semaphore_mem>> -> memref<!tpu.dma_semaphore, #tpu.memory_space<semaphore_mem>>
            tpu.wait_indirect_dma semaphore(%dma_wait3A_522 : memref<!tpu.dma_semaphore, #tpu.memory_space<semaphore_mem>>) src(%dma_wait3A_514 : memref<120x128xf32, #tpu.memory_space<vmem>>) dst(%dma_wait3A_520 : memref<10240x128xf32, #tpu.memory_space<vmem_shared>>)
          } else {
          }
          %dma_start3A_491 = arith.constant 2 : i32
          %dma_start3A_492 = arith.constant 0 : i32
          %dma_start3A_493 = arith.constant 2 : i32
          %dma_start3A_494 = arith.constant 2 : i32
          %dma_start3A_495 = arith.constant 0 : i32
          %dma_start3A_496 = arith.constant 0 : i32
          %dma_start3A_497 = tpu.memref_slice %arg7[%dma_start3A_493, %dma_start3A_495, %dma_start3A_496] : memref<3x120x128xf32, #tpu.memory_space<vmem>> -> memref<1x120x128xf32, #tpu.memory_space<vmem>>
          %dma_start3A_498 = tpu.memref_squeeze %dma_start3A_497 : memref<1x120x128xf32, #tpu.memory_space<vmem>> -> memref<120x128xf32, #tpu.memory_space<vmem>>
          %dma_start3A_499 = arith.constant 0 : i32
          %dma_start3A_500 = tpu.memref_slice %arg6[%dma_start3A_491, %dma_start3A_492, %dma_start3A_499] : memref<6x2x120xi32, #tpu.memory_space<vmem>> -> memref<1x1x120xi32, #tpu.memory_space<vmem>>
          %dma_start3A_501 = tpu.memref_squeeze %dma_start3A_500 : memref<1x1x120xi32, #tpu.memory_space<vmem>> -> memref<120xi32, #tpu.memory_space<vmem>>
          %dma_start3A_502 = arith.constant 0 : i32
          %dma_start3A_503 = arith.constant 0 : i32
          %dma_start3A_504 = tpu.memref_slice %arg2[%dma_start3A_502, %dma_start3A_503] : memref<80000x128xf32, #tpu.memory_space<hbm>> -> memref<80000x128xf32, #tpu.memory_space<hbm>>
          %dma_start3A_505 = tpu.memref_slice %arg10[%dma_start3A_494] : memref<3x!tpu.dma_semaphore, #tpu.memory_space<semaphore_mem>> -> memref<1x!tpu.dma_semaphore, #tpu.memory_space<semaphore_mem>>
          %dma_start3A_506 = tpu.memref_squeeze %dma_start3A_505 : memref<1x!tpu.dma_semaphore, #tpu.memory_space<semaphore_mem>> -> memref<!tpu.dma_semaphore, #tpu.memory_space<semaphore_mem>>
          tpu.enqueue_indirect_dma source(%dma_start3A_504 : memref<80000x128xf32, #tpu.memory_space<hbm>>) target(%dma_start3A_498 : memref<120x128xf32, #tpu.memory_space<vmem>>) offsets(%dma_start3A_501 : memref<120xi32, #tpu.memory_space<vmem>>) semaphore(%dma_start3A_506 : memref<!tpu.dma_semaphore, #tpu.memory_space<semaphore_mem>>)
        } else {
        }
        %add3A_234 = arith.constant 3 : i32
        %add3A_235 = arith.addi %add3A_226, %add3A_234 : i32
        %lt3A_236 = arith.constant 168 : i32
        %lt3A_237 = arith.cmpi slt, %add3A_235, %lt3A_236 : i32
        %convert_element_type3A_238 = arith.extui %lt3A_237 : i1 to i32
        %cond3A_239 = arith.constant 0 : i32
        %cond3A_240 = arith.cmpi ne, %convert_element_type3A_238, %cond3A_239 : i32
        scf.if %cond3A_240 {
          %add3A_465 = arith.constant 3 : i32
          %add3A_466 = arith.addi %add3A_226, %add3A_465 : i32
          %dma_start3A_467 = arith.constant 4 : i32
          %dma_start3A_468 = arith.constant 4 : i32
          %dma_start3A_469 = arith.constant 0 : i32
          %dma_start3A_470 = arith.constant 0 : i32
          %dma_start3A_471 = tpu.memref_slice %arg6[%dma_start3A_467, %dma_start3A_469, %dma_start3A_470] : memref<6x2x120xi32, #tpu.memory_space<vmem>> -> memref<1x2x120xi32, #tpu.memory_space<vmem>>
          %dma_start3A_472 = tpu.memref_squeeze %dma_start3A_471 : memref<1x2x120xi32, #tpu.memory_space<vmem>> -> memref<2x120xi32, #tpu.memory_space<vmem>>
          %dma_start3A_473 = arith.constant 0 : i32
          %dma_start3A_474 = arith.constant 0 : i32
          %dma_start3A_475 = tpu.memref_slice %arg3[%arg1, %add3A_466, %dma_start3A_473, %dma_start3A_474] : memref<16x168x2x120xi32, #tpu.memory_space<hbm>> -> memref<1x1x2x120xi32, #tpu.memory_space<hbm>>
          %dma_start3A_476 = tpu.memref_squeeze %dma_start3A_475 : memref<1x1x2x120xi32, #tpu.memory_space<hbm>> -> memref<2x120xi32, #tpu.memory_space<hbm>>
          %dma_start3A_477 = tpu.memref_slice %arg9[%dma_start3A_468] : memref<6x!tpu.dma_semaphore, #tpu.memory_space<semaphore_mem>> -> memref<1x!tpu.dma_semaphore, #tpu.memory_space<semaphore_mem>>
          %dma_start3A_478 = tpu.memref_squeeze %dma_start3A_477 : memref<1x!tpu.dma_semaphore, #tpu.memory_space<semaphore_mem>> -> memref<!tpu.dma_semaphore, #tpu.memory_space<semaphore_mem>>
          %dma_start3A_479 = arith.constant 0 : i32
          %dma_start3A_480 = arith.constant 0 : i32
          %dma_start3A_481 = tpu.memref_slice %arg6[%dma_start3A_467, %dma_start3A_479, %dma_start3A_480] : memref<6x2x120xi32, #tpu.memory_space<vmem>> -> memref<1x2x120xi32, #tpu.memory_space<vmem>>
          %dma_start3A_482 = tpu.memref_squeeze %dma_start3A_481 : memref<1x2x120xi32, #tpu.memory_space<vmem>> -> memref<2x120xi32, #tpu.memory_space<vmem>>
          %dma_start3A_483 = arith.constant 0 : i32
          %dma_start3A_484 = arith.constant 0 : i32
          %dma_start3A_485 = tpu.memref_slice %arg3[%arg1, %add3A_466, %dma_start3A_483, %dma_start3A_484] : memref<16x168x2x120xi32, #tpu.memory_space<hbm>> -> memref<1x1x2x120xi32, #tpu.memory_space<hbm>>
          %dma_start3A_486 = tpu.memref_squeeze %dma_start3A_485 : memref<1x1x2x120xi32, #tpu.memory_space<hbm>> -> memref<2x120xi32, #tpu.memory_space<hbm>>
          tpu.enqueue_dma source(%dma_start3A_486 : memref<2x120xi32, #tpu.memory_space<hbm>>) target(%dma_start3A_482 : memref<2x120xi32, #tpu.memory_space<vmem>>) target_semaphore(%dma_start3A_478 : memref<!tpu.dma_semaphore, #tpu.memory_space<semaphore_mem>>)
        } else {
        }
        %dma_wait3A_241 = arith.constant 1 : i32
        %dma_wait3A_242 = arith.constant 0 : i32
        %dma_wait3A_243 = arith.constant 1 : i32
        %dma_wait3A_244 = arith.constant 1 : i32
        %dma_wait3A_245 = arith.constant 0 : i32
        %dma_wait3A_246 = arith.constant 0 : i32
        %dma_wait3A_247 = tpu.memref_slice %arg7[%dma_wait3A_243, %dma_wait3A_245, %dma_wait3A_246] : memref<3x120x128xf32, #tpu.memory_space<vmem>> -> memref<1x120x128xf32, #tpu.memory_space<vmem>>
        %dma_wait3A_248 = tpu.memref_squeeze %dma_wait3A_247 : memref<1x120x128xf32, #tpu.memory_space<vmem>> -> memref<120x128xf32, #tpu.memory_space<vmem>>
        %dma_wait3A_249 = arith.constant 0 : i32
        %dma_wait3A_250 = tpu.memref_slice %arg6[%dma_wait3A_241, %dma_wait3A_242, %dma_wait3A_249] : memref<6x2x120xi32, #tpu.memory_space<vmem>> -> memref<1x1x120xi32, #tpu.memory_space<vmem>>
        %dma_wait3A_251 = tpu.memref_squeeze %dma_wait3A_250 : memref<1x1x120xi32, #tpu.memory_space<vmem>> -> memref<120xi32, #tpu.memory_space<vmem>>
        %dma_wait3A_252 = arith.constant 0 : i32
        %dma_wait3A_253 = arith.constant 0 : i32
        %dma_wait3A_254 = tpu.memref_slice %arg2[%dma_wait3A_252, %dma_wait3A_253] : memref<80000x128xf32, #tpu.memory_space<hbm>> -> memref<80000x128xf32, #tpu.memory_space<hbm>>
        %dma_wait3A_255 = tpu.memref_slice %arg10[%dma_wait3A_244] : memref<3x!tpu.dma_semaphore, #tpu.memory_space<semaphore_mem>> -> memref<1x!tpu.dma_semaphore, #tpu.memory_space<semaphore_mem>>
        %dma_wait3A_256 = tpu.memref_squeeze %dma_wait3A_255 : memref<1x!tpu.dma_semaphore, #tpu.memory_space<semaphore_mem>> -> memref<!tpu.dma_semaphore, #tpu.memory_space<semaphore_mem>>
        tpu.wait_indirect_dma semaphore(%dma_wait3A_256 : memref<!tpu.dma_semaphore, #tpu.memory_space<semaphore_mem>>) src(%dma_wait3A_254 : memref<80000x128xf32, #tpu.memory_space<hbm>>) dst(%dma_wait3A_248 : memref<120x128xf32, #tpu.memory_space<vmem>>)
        %dma_start3A_257 = arith.constant 1 : i32
        %dma_start3A_258 = arith.constant 1 : i32
        %dma_start3A_259 = arith.constant 1 : i32
        %dma_start3A_260 = arith.constant 1 : i32
        %dma_start3A_261 = arith.constant 0 : i32
        %dma_start3A_262 = arith.constant 0 : i32
        %dma_start3A_263 = tpu.memref_slice %arg7[%dma_start3A_257, %dma_start3A_261, %dma_start3A_262] : memref<3x120x128xf32, #tpu.memory_space<vmem>> -> memref<1x120x128xf32, #tpu.memory_space<vmem>>
        %dma_start3A_264 = tpu.memref_squeeze %dma_start3A_263 : memref<1x120x128xf32, #tpu.memory_space<vmem>> -> memref<120x128xf32, #tpu.memory_space<vmem>>
        %dma_start3A_265 = arith.constant 0 : i32
        %dma_start3A_266 = tpu.memref_slice %arg6[%dma_start3A_258, %dma_start3A_259, %dma_start3A_265] : memref<6x2x120xi32, #tpu.memory_space<vmem>> -> memref<1x1x120xi32, #tpu.memory_space<vmem>>
        %dma_start3A_267 = tpu.memref_squeeze %dma_start3A_266 : memref<1x1x120xi32, #tpu.memory_space<vmem>> -> memref<120xi32, #tpu.memory_space<vmem>>
        %dma_start3A_268 = arith.constant 0 : i32
        %dma_start3A_269 = arith.constant 0 : i32
        %dma_start3A_270 = tpu.memref_slice %arg8[%dma_start3A_268, %dma_start3A_269] : memref<10240x128xf32, #tpu.memory_space<vmem_shared>> -> memref<10240x128xf32, #tpu.memory_space<vmem_shared>>
        %dma_start3A_271 = tpu.memref_slice %arg11[%dma_start3A_260] : memref<3x!tpu.dma_semaphore, #tpu.memory_space<semaphore_mem>> -> memref<1x!tpu.dma_semaphore, #tpu.memory_space<semaphore_mem>>
        %dma_start3A_272 = tpu.memref_squeeze %dma_start3A_271 : memref<1x!tpu.dma_semaphore, #tpu.memory_space<semaphore_mem>> -> memref<!tpu.dma_semaphore, #tpu.memory_space<semaphore_mem>>
        tpu.enqueue_indirect_dma source(%dma_start3A_264 : memref<120x128xf32, #tpu.memory_space<vmem>>) target(%dma_start3A_270 : memref<10240x128xf32, #tpu.memory_space<vmem_shared>>) offsets(%dma_start3A_267 : memref<120xi32, #tpu.memory_space<vmem>>) semaphore(%dma_start3A_272 : memref<!tpu.dma_semaphore, #tpu.memory_space<semaphore_mem>>) {add = true}
        %add3A_273 = arith.constant 2 : i32
        %add3A_274 = arith.addi %add3A_176, %add3A_273 : i32
        %add3A_275 = arith.constant 1 : i32
        %add3A_276 = arith.addi %add3A_274, %add3A_275 : i32
        %lt3A_277 = arith.constant 168 : i32
        %lt3A_278 = arith.cmpi slt, %add3A_276, %lt3A_277 : i32
        %convert_element_type3A_279 = arith.extui %lt3A_278 : i1 to i32
        %cond3A_280 = arith.constant 0 : i32
        %cond3A_281 = arith.cmpi ne, %convert_element_type3A_279, %cond3A_280 : i32
        scf.if %cond3A_281 {
          %add3A_465 = arith.constant 1 : i32
          %add3A_466 = arith.addi %add3A_274, %add3A_465 : i32
          %dma_wait3A_467 = arith.constant 3 : i32
          %dma_wait3A_468 = arith.constant 3 : i32
          %dma_wait3A_469 = arith.constant 0 : i32
          %dma_wait3A_470 = arith.constant 0 : i32
          %dma_wait3A_471 = tpu.memref_slice %arg6[%dma_wait3A_467, %dma_wait3A_469, %dma_wait3A_470] : memref<6x2x120xi32, #tpu.memory_space<vmem>> -> memref<1x2x120xi32, #tpu.memory_space<vmem>>
          %dma_wait3A_472 = tpu.memref_squeeze %dma_wait3A_471 : memref<1x2x120xi32, #tpu.memory_space<vmem>> -> memref<2x120xi32, #tpu.memory_space<vmem>>
          %dma_wait3A_473 = arith.constant 0 : i32
          %dma_wait3A_474 = arith.constant 0 : i32
          %dma_wait3A_475 = tpu.memref_slice %arg3[%arg1, %add3A_466, %dma_wait3A_473, %dma_wait3A_474] : memref<16x168x2x120xi32, #tpu.memory_space<hbm>> -> memref<1x1x2x120xi32, #tpu.memory_space<hbm>>
          %dma_wait3A_476 = tpu.memref_squeeze %dma_wait3A_475 : memref<1x1x2x120xi32, #tpu.memory_space<hbm>> -> memref<2x120xi32, #tpu.memory_space<hbm>>
          %dma_wait3A_477 = tpu.memref_slice %arg9[%dma_wait3A_468] : memref<6x!tpu.dma_semaphore, #tpu.memory_space<semaphore_mem>> -> memref<1x!tpu.dma_semaphore, #tpu.memory_space<semaphore_mem>>
          %dma_wait3A_478 = tpu.memref_squeeze %dma_wait3A_477 : memref<1x!tpu.dma_semaphore, #tpu.memory_space<semaphore_mem>> -> memref<!tpu.dma_semaphore, #tpu.memory_space<semaphore_mem>>
          %dma_wait3A_479 = arith.constant 0 : i32
          %dma_wait3A_480 = arith.constant 0 : i32
          %dma_wait3A_481 = tpu.memref_slice %arg6[%dma_wait3A_467, %dma_wait3A_479, %dma_wait3A_480] : memref<6x2x120xi32, #tpu.memory_space<vmem>> -> memref<1x2x120xi32, #tpu.memory_space<vmem>>
          %dma_wait3A_482 = tpu.memref_squeeze %dma_wait3A_481 : memref<1x2x120xi32, #tpu.memory_space<vmem>> -> memref<2x120xi32, #tpu.memory_space<vmem>>
          %dma_wait3A_483 = arith.constant 0 : i32
          %dma_wait3A_484 = arith.constant 0 : i32
          %dma_wait3A_485 = tpu.memref_slice %arg3[%arg1, %add3A_466, %dma_wait3A_483, %dma_wait3A_484] : memref<16x168x2x120xi32, #tpu.memory_space<hbm>> -> memref<1x1x2x120xi32, #tpu.memory_space<hbm>>
          %dma_wait3A_486 = tpu.memref_squeeze %dma_wait3A_485 : memref<1x1x2x120xi32, #tpu.memory_space<hbm>> -> memref<2x120xi32, #tpu.memory_space<hbm>>
          tpu.wait_dma2 semaphore(%dma_wait3A_478 : memref<!tpu.dma_semaphore, #tpu.memory_space<semaphore_mem>>) src(%dma_wait3A_486 : memref<2x120xi32, #tpu.memory_space<hbm>>) dst(%dma_wait3A_482 : memref<2x120xi32, #tpu.memory_space<vmem>>)
          %ge3A = arith.constant 2 : i32
          %ge3A_487 = arith.cmpi sge, %add3A_274, %ge3A : i32
          %convert_element_type3A_488 = arith.extui %ge3A_487 : i1 to i32
          %cond3A_489 = arith.constant 0 : i32
          %cond3A_490 = arith.cmpi ne, %convert_element_type3A_488, %cond3A_489 : i32
          scf.if %cond3A_490 {
            %dma_wait3A_507 = arith.constant 0 : i32
            %dma_wait3A_508 = arith.constant 0 : i32
            %dma_wait3A_509 = arith.constant 1 : i32
            %dma_wait3A_510 = arith.constant 0 : i32
            %dma_wait3A_511 = arith.constant 0 : i32
            %dma_wait3A_512 = arith.constant 0 : i32
            %dma_wait3A_513 = tpu.memref_slice %arg7[%dma_wait3A_507, %dma_wait3A_511, %dma_wait3A_512] : memref<3x120x128xf32, #tpu.memory_space<vmem>> -> memref<1x120x128xf32, #tpu.memory_space<vmem>>
            %dma_wait3A_514 = tpu.memref_squeeze %dma_wait3A_513 : memref<1x120x128xf32, #tpu.memory_space<vmem>> -> memref<120x128xf32, #tpu.memory_space<vmem>>
            %dma_wait3A_515 = arith.constant 0 : i32
            %dma_wait3A_516 = tpu.memref_slice %arg6[%dma_wait3A_508, %dma_wait3A_509, %dma_wait3A_515] : memref<6x2x120xi32, #tpu.memory_space<vmem>> -> memref<1x1x120xi32, #tpu.memory_space<vmem>>
            %dma_wait3A_517 = tpu.memref_squeeze %dma_wait3A_516 : memref<1x1x120xi32, #tpu.memory_space<vmem>> -> memref<120xi32, #tpu.memory_space<vmem>>
            %dma_wait3A_518 = arith.constant 0 : i32
            %dma_wait3A_519 = arith.constant 0 : i32
            %dma_wait3A_520 = tpu.memref_slice %arg8[%dma_wait3A_518, %dma_wait3A_519] : memref<10240x128xf32, #tpu.memory_space<vmem_shared>> -> memref<10240x128xf32, #tpu.memory_space<vmem_shared>>
            %dma_wait3A_521 = tpu.memref_slice %arg11[%dma_wait3A_510] : memref<3x!tpu.dma_semaphore, #tpu.memory_space<semaphore_mem>> -> memref<1x!tpu.dma_semaphore, #tpu.memory_space<semaphore_mem>>
            %dma_wait3A_522 = tpu.memref_squeeze %dma_wait3A_521 : memref<1x!tpu.dma_semaphore, #tpu.memory_space<semaphore_mem>> -> memref<!tpu.dma_semaphore, #tpu.memory_space<semaphore_mem>>
            tpu.wait_indirect_dma semaphore(%dma_wait3A_522 : memref<!tpu.dma_semaphore, #tpu.memory_space<semaphore_mem>>) src(%dma_wait3A_514 : memref<120x128xf32, #tpu.memory_space<vmem>>) dst(%dma_wait3A_520 : memref<10240x128xf32, #tpu.memory_space<vmem_shared>>)
          } else {
          }
          %dma_start3A_491 = arith.constant 3 : i32
          %dma_start3A_492 = arith.constant 0 : i32
          %dma_start3A_493 = arith.constant 0 : i32
          %dma_start3A_494 = arith.constant 0 : i32
          %dma_start3A_495 = arith.constant 0 : i32
          %dma_start3A_496 = arith.constant 0 : i32
          %dma_start3A_497 = tpu.memref_slice %arg7[%dma_start3A_493, %dma_start3A_495, %dma_start3A_496] : memref<3x120x128xf32, #tpu.memory_space<vmem>> -> memref<1x120x128xf32, #tpu.memory_space<vmem>>
          %dma_start3A_498 = tpu.memref_squeeze %dma_start3A_497 : memref<1x120x128xf32, #tpu.memory_space<vmem>> -> memref<120x128xf32, #tpu.memory_space<vmem>>
          %dma_start3A_499 = arith.constant 0 : i32
          %dma_start3A_500 = tpu.memref_slice %arg6[%dma_start3A_491, %dma_start3A_492, %dma_start3A_499] : memref<6x2x120xi32, #tpu.memory_space<vmem>> -> memref<1x1x120xi32, #tpu.memory_space<vmem>>
          %dma_start3A_501 = tpu.memref_squeeze %dma_start3A_500 : memref<1x1x120xi32, #tpu.memory_space<vmem>> -> memref<120xi32, #tpu.memory_space<vmem>>
          %dma_start3A_502 = arith.constant 0 : i32
          %dma_start3A_503 = arith.constant 0 : i32
          %dma_start3A_504 = tpu.memref_slice %arg2[%dma_start3A_502, %dma_start3A_503] : memref<80000x128xf32, #tpu.memory_space<hbm>> -> memref<80000x128xf32, #tpu.memory_space<hbm>>
          %dma_start3A_505 = tpu.memref_slice %arg10[%dma_start3A_494] : memref<3x!tpu.dma_semaphore, #tpu.memory_space<semaphore_mem>> -> memref<1x!tpu.dma_semaphore, #tpu.memory_space<semaphore_mem>>
          %dma_start3A_506 = tpu.memref_squeeze %dma_start3A_505 : memref<1x!tpu.dma_semaphore, #tpu.memory_space<semaphore_mem>> -> memref<!tpu.dma_semaphore, #tpu.memory_space<semaphore_mem>>
          tpu.enqueue_indirect_dma source(%dma_start3A_504 : memref<80000x128xf32, #tpu.memory_space<hbm>>) target(%dma_start3A_498 : memref<120x128xf32, #tpu.memory_space<vmem>>) offsets(%dma_start3A_501 : memref<120xi32, #tpu.memory_space<vmem>>) semaphore(%dma_start3A_506 : memref<!tpu.dma_semaphore, #tpu.memory_space<semaphore_mem>>)
        } else {
        }
        %add3A_282 = arith.constant 3 : i32
        %add3A_283 = arith.addi %add3A_274, %add3A_282 : i32
        %lt3A_284 = arith.constant 168 : i32
        %lt3A_285 = arith.cmpi slt, %add3A_283, %lt3A_284 : i32
        %convert_element_type3A_286 = arith.extui %lt3A_285 : i1 to i32
        %cond3A_287 = arith.constant 0 : i32
        %cond3A_288 = arith.cmpi ne, %convert_element_type3A_286, %cond3A_287 : i32
        scf.if %cond3A_288 {
          %add3A_465 = arith.constant 3 : i32
          %add3A_466 = arith.addi %add3A_274, %add3A_465 : i32
          %dma_start3A_467 = arith.constant 5 : i32
          %dma_start3A_468 = arith.constant 5 : i32
          %dma_start3A_469 = arith.constant 0 : i32
          %dma_start3A_470 = arith.constant 0 : i32
          %dma_start3A_471 = tpu.memref_slice %arg6[%dma_start3A_467, %dma_start3A_469, %dma_start3A_470] : memref<6x2x120xi32, #tpu.memory_space<vmem>> -> memref<1x2x120xi32, #tpu.memory_space<vmem>>
          %dma_start3A_472 = tpu.memref_squeeze %dma_start3A_471 : memref<1x2x120xi32, #tpu.memory_space<vmem>> -> memref<2x120xi32, #tpu.memory_space<vmem>>
          %dma_start3A_473 = arith.constant 0 : i32
          %dma_start3A_474 = arith.constant 0 : i32
          %dma_start3A_475 = tpu.memref_slice %arg3[%arg1, %add3A_466, %dma_start3A_473, %dma_start3A_474] : memref<16x168x2x120xi32, #tpu.memory_space<hbm>> -> memref<1x1x2x120xi32, #tpu.memory_space<hbm>>
          %dma_start3A_476 = tpu.memref_squeeze %dma_start3A_475 : memref<1x1x2x120xi32, #tpu.memory_space<hbm>> -> memref<2x120xi32, #tpu.memory_space<hbm>>
          %dma_start3A_477 = tpu.memref_slice %arg9[%dma_start3A_468] : memref<6x!tpu.dma_semaphore, #tpu.memory_space<semaphore_mem>> -> memref<1x!tpu.dma_semaphore, #tpu.memory_space<semaphore_mem>>
          %dma_start3A_478 = tpu.memref_squeeze %dma_start3A_477 : memref<1x!tpu.dma_semaphore, #tpu.memory_space<semaphore_mem>> -> memref<!tpu.dma_semaphore, #tpu.memory_space<semaphore_mem>>
          %dma_start3A_479 = arith.constant 0 : i32
          %dma_start3A_480 = arith.constant 0 : i32
          %dma_start3A_481 = tpu.memref_slice %arg6[%dma_start3A_467, %dma_start3A_479, %dma_start3A_480] : memref<6x2x120xi32, #tpu.memory_space<vmem>> -> memref<1x2x120xi32, #tpu.memory_space<vmem>>
          %dma_start3A_482 = tpu.memref_squeeze %dma_start3A_481 : memref<1x2x120xi32, #tpu.memory_space<vmem>> -> memref<2x120xi32, #tpu.memory_space<vmem>>
          %dma_start3A_483 = arith.constant 0 : i32
          %dma_start3A_484 = arith.constant 0 : i32
          %dma_start3A_485 = tpu.memref_slice %arg3[%arg1, %add3A_466, %dma_start3A_483, %dma_start3A_484] : memref<16x168x2x120xi32, #tpu.memory_space<hbm>> -> memref<1x1x2x120xi32, #tpu.memory_space<hbm>>
          %dma_start3A_486 = tpu.memref_squeeze %dma_start3A_485 : memref<1x1x2x120xi32, #tpu.memory_space<hbm>> -> memref<2x120xi32, #tpu.memory_space<hbm>>
          tpu.enqueue_dma source(%dma_start3A_486 : memref<2x120xi32, #tpu.memory_space<hbm>>) target(%dma_start3A_482 : memref<2x120xi32, #tpu.memory_space<vmem>>) target_semaphore(%dma_start3A_478 : memref<!tpu.dma_semaphore, #tpu.memory_space<semaphore_mem>>)
        } else {
        }
        %dma_wait3A_289 = arith.constant 2 : i32
        %dma_wait3A_290 = arith.constant 0 : i32
        %dma_wait3A_291 = arith.constant 2 : i32
        %dma_wait3A_292 = arith.constant 2 : i32
        %dma_wait3A_293 = arith.constant 0 : i32
        %dma_wait3A_294 = arith.constant 0 : i32
        %dma_wait3A_295 = tpu.memref_slice %arg7[%dma_wait3A_291, %dma_wait3A_293, %dma_wait3A_294] : memref<3x120x128xf32, #tpu.memory_space<vmem>> -> memref<1x120x128xf32, #tpu.memory_space<vmem>>
        %dma_wait3A_296 = tpu.memref_squeeze %dma_wait3A_295 : memref<1x120x128xf32, #tpu.memory_space<vmem>> -> memref<120x128xf32, #tpu.memory_space<vmem>>
        %dma_wait3A_297 = arith.constant 0 : i32
        %dma_wait3A_298 = tpu.memref_slice %arg6[%dma_wait3A_289, %dma_wait3A_290, %dma_wait3A_297] : memref<6x2x120xi32, #tpu.memory_space<vmem>> -> memref<1x1x120xi32, #tpu.memory_space<vmem>>
        %dma_wait3A_299 = tpu.memref_squeeze %dma_wait3A_298 : memref<1x1x120xi32, #tpu.memory_space<vmem>> -> memref<120xi32, #tpu.memory_space<vmem>>
        %dma_wait3A_300 = arith.constant 0 : i32
        %dma_wait3A_301 = arith.constant 0 : i32
        %dma_wait3A_302 = tpu.memref_slice %arg2[%dma_wait3A_300, %dma_wait3A_301] : memref<80000x128xf32, #tpu.memory_space<hbm>> -> memref<80000x128xf32, #tpu.memory_space<hbm>>
        %dma_wait3A_303 = tpu.memref_slice %arg10[%dma_wait3A_292] : memref<3x!tpu.dma_semaphore, #tpu.memory_space<semaphore_mem>> -> memref<1x!tpu.dma_semaphore, #tpu.memory_space<semaphore_mem>>
        %dma_wait3A_304 = tpu.memref_squeeze %dma_wait3A_303 : memref<1x!tpu.dma_semaphore, #tpu.memory_space<semaphore_mem>> -> memref<!tpu.dma_semaphore, #tpu.memory_space<semaphore_mem>>
        tpu.wait_indirect_dma semaphore(%dma_wait3A_304 : memref<!tpu.dma_semaphore, #tpu.memory_space<semaphore_mem>>) src(%dma_wait3A_302 : memref<80000x128xf32, #tpu.memory_space<hbm>>) dst(%dma_wait3A_296 : memref<120x128xf32, #tpu.memory_space<vmem>>)
        %dma_start3A_305 = arith.constant 2 : i32
        %dma_start3A_306 = arith.constant 2 : i32
        %dma_start3A_307 = arith.constant 1 : i32
        %dma_start3A_308 = arith.constant 2 : i32
        %dma_start3A_309 = arith.constant 0 : i32
        %dma_start3A_310 = arith.constant 0 : i32
        %dma_start3A_311 = tpu.memref_slice %arg7[%dma_start3A_305, %dma_start3A_309, %dma_start3A_310] : memref<3x120x128xf32, #tpu.memory_space<vmem>> -> memref<1x120x128xf32, #tpu.memory_space<vmem>>
        %dma_start3A_312 = tpu.memref_squeeze %dma_start3A_311 : memref<1x120x128xf32, #tpu.memory_space<vmem>> -> memref<120x128xf32, #tpu.memory_space<vmem>>
        %dma_start3A_313 = arith.constant 0 : i32
        %dma_start3A_314 = tpu.memref_slice %arg6[%dma_start3A_306, %dma_start3A_307, %dma_start3A_313] : memref<6x2x120xi32, #tpu.memory_space<vmem>> -> memref<1x1x120xi32, #tpu.memory_space<vmem>>
        %dma_start3A_315 = tpu.memref_squeeze %dma_start3A_314 : memref<1x1x120xi32, #tpu.memory_space<vmem>> -> memref<120xi32, #tpu.memory_space<vmem>>
        %dma_start3A_316 = arith.constant 0 : i32
        %dma_start3A_317 = arith.constant 0 : i32
        %dma_start3A_318 = tpu.memref_slice %arg8[%dma_start3A_316, %dma_start3A_317] : memref<10240x128xf32, #tpu.memory_space<vmem_shared>> -> memref<10240x128xf32, #tpu.memory_space<vmem_shared>>
        %dma_start3A_319 = tpu.memref_slice %arg11[%dma_start3A_308] : memref<3x!tpu.dma_semaphore, #tpu.memory_space<semaphore_mem>> -> memref<1x!tpu.dma_semaphore, #tpu.memory_space<semaphore_mem>>
        %dma_start3A_320 = tpu.memref_squeeze %dma_start3A_319 : memref<1x!tpu.dma_semaphore, #tpu.memory_space<semaphore_mem>> -> memref<!tpu.dma_semaphore, #tpu.memory_space<semaphore_mem>>
        tpu.enqueue_indirect_dma source(%dma_start3A_312 : memref<120x128xf32, #tpu.memory_space<vmem>>) target(%dma_start3A_318 : memref<10240x128xf32, #tpu.memory_space<vmem_shared>>) offsets(%dma_start3A_315 : memref<120xi32, #tpu.memory_space<vmem>>) semaphore(%dma_start3A_320 : memref<!tpu.dma_semaphore, #tpu.memory_space<semaphore_mem>>) {add = true}
        %add3A_321 = arith.constant 3 : i32
        %add3A_322 = arith.addi %add3A_176, %add3A_321 : i32
        %add3A_323 = arith.constant 1 : i32
        %add3A_324 = arith.addi %add3A_322, %add3A_323 : i32
        %lt3A_325 = arith.constant 168 : i32
        %lt3A_326 = arith.cmpi slt, %add3A_324, %lt3A_325 : i32
        %convert_element_type3A_327 = arith.extui %lt3A_326 : i1 to i32
        %cond3A_328 = arith.constant 0 : i32
        %cond3A_329 = arith.cmpi ne, %convert_element_type3A_327, %cond3A_328 : i32
        scf.if %cond3A_329 {
          %add3A_465 = arith.constant 1 : i32
          %add3A_466 = arith.addi %add3A_322, %add3A_465 : i32
          %dma_wait3A_467 = arith.constant 4 : i32
          %dma_wait3A_468 = arith.constant 4 : i32
          %dma_wait3A_469 = arith.constant 0 : i32
          %dma_wait3A_470 = arith.constant 0 : i32
          %dma_wait3A_471 = tpu.memref_slice %arg6[%dma_wait3A_467, %dma_wait3A_469, %dma_wait3A_470] : memref<6x2x120xi32, #tpu.memory_space<vmem>> -> memref<1x2x120xi32, #tpu.memory_space<vmem>>
          %dma_wait3A_472 = tpu.memref_squeeze %dma_wait3A_471 : memref<1x2x120xi32, #tpu.memory_space<vmem>> -> memref<2x120xi32, #tpu.memory_space<vmem>>
          %dma_wait3A_473 = arith.constant 0 : i32
          %dma_wait3A_474 = arith.constant 0 : i32
          %dma_wait3A_475 = tpu.memref_slice %arg3[%arg1, %add3A_466, %dma_wait3A_473, %dma_wait3A_474] : memref<16x168x2x120xi32, #tpu.memory_space<hbm>> -> memref<1x1x2x120xi32, #tpu.memory_space<hbm>>
          %dma_wait3A_476 = tpu.memref_squeeze %dma_wait3A_475 : memref<1x1x2x120xi32, #tpu.memory_space<hbm>> -> memref<2x120xi32, #tpu.memory_space<hbm>>
          %dma_wait3A_477 = tpu.memref_slice %arg9[%dma_wait3A_468] : memref<6x!tpu.dma_semaphore, #tpu.memory_space<semaphore_mem>> -> memref<1x!tpu.dma_semaphore, #tpu.memory_space<semaphore_mem>>
          %dma_wait3A_478 = tpu.memref_squeeze %dma_wait3A_477 : memref<1x!tpu.dma_semaphore, #tpu.memory_space<semaphore_mem>> -> memref<!tpu.dma_semaphore, #tpu.memory_space<semaphore_mem>>
          %dma_wait3A_479 = arith.constant 0 : i32
          %dma_wait3A_480 = arith.constant 0 : i32
          %dma_wait3A_481 = tpu.memref_slice %arg6[%dma_wait3A_467, %dma_wait3A_479, %dma_wait3A_480] : memref<6x2x120xi32, #tpu.memory_space<vmem>> -> memref<1x2x120xi32, #tpu.memory_space<vmem>>
          %dma_wait3A_482 = tpu.memref_squeeze %dma_wait3A_481 : memref<1x2x120xi32, #tpu.memory_space<vmem>> -> memref<2x120xi32, #tpu.memory_space<vmem>>
          %dma_wait3A_483 = arith.constant 0 : i32
          %dma_wait3A_484 = arith.constant 0 : i32
          %dma_wait3A_485 = tpu.memref_slice %arg3[%arg1, %add3A_466, %dma_wait3A_483, %dma_wait3A_484] : memref<16x168x2x120xi32, #tpu.memory_space<hbm>> -> memref<1x1x2x120xi32, #tpu.memory_space<hbm>>
          %dma_wait3A_486 = tpu.memref_squeeze %dma_wait3A_485 : memref<1x1x2x120xi32, #tpu.memory_space<hbm>> -> memref<2x120xi32, #tpu.memory_space<hbm>>
          tpu.wait_dma2 semaphore(%dma_wait3A_478 : memref<!tpu.dma_semaphore, #tpu.memory_space<semaphore_mem>>) src(%dma_wait3A_486 : memref<2x120xi32, #tpu.memory_space<hbm>>) dst(%dma_wait3A_482 : memref<2x120xi32, #tpu.memory_space<vmem>>)
          %ge3A = arith.constant 2 : i32
          %ge3A_487 = arith.cmpi sge, %add3A_322, %ge3A : i32
          %convert_element_type3A_488 = arith.extui %ge3A_487 : i1 to i32
          %cond3A_489 = arith.constant 0 : i32
          %cond3A_490 = arith.cmpi ne, %convert_element_type3A_488, %cond3A_489 : i32
          scf.if %cond3A_490 {
            %dma_wait3A_507 = arith.constant 1 : i32
            %dma_wait3A_508 = arith.constant 1 : i32
            %dma_wait3A_509 = arith.constant 1 : i32
            %dma_wait3A_510 = arith.constant 1 : i32
            %dma_wait3A_511 = arith.constant 0 : i32
            %dma_wait3A_512 = arith.constant 0 : i32
            %dma_wait3A_513 = tpu.memref_slice %arg7[%dma_wait3A_507, %dma_wait3A_511, %dma_wait3A_512] : memref<3x120x128xf32, #tpu.memory_space<vmem>> -> memref<1x120x128xf32, #tpu.memory_space<vmem>>
            %dma_wait3A_514 = tpu.memref_squeeze %dma_wait3A_513 : memref<1x120x128xf32, #tpu.memory_space<vmem>> -> memref<120x128xf32, #tpu.memory_space<vmem>>
            %dma_wait3A_515 = arith.constant 0 : i32
            %dma_wait3A_516 = tpu.memref_slice %arg6[%dma_wait3A_508, %dma_wait3A_509, %dma_wait3A_515] : memref<6x2x120xi32, #tpu.memory_space<vmem>> -> memref<1x1x120xi32, #tpu.memory_space<vmem>>
            %dma_wait3A_517 = tpu.memref_squeeze %dma_wait3A_516 : memref<1x1x120xi32, #tpu.memory_space<vmem>> -> memref<120xi32, #tpu.memory_space<vmem>>
            %dma_wait3A_518 = arith.constant 0 : i32
            %dma_wait3A_519 = arith.constant 0 : i32
            %dma_wait3A_520 = tpu.memref_slice %arg8[%dma_wait3A_518, %dma_wait3A_519] : memref<10240x128xf32, #tpu.memory_space<vmem_shared>> -> memref<10240x128xf32, #tpu.memory_space<vmem_shared>>
            %dma_wait3A_521 = tpu.memref_slice %arg11[%dma_wait3A_510] : memref<3x!tpu.dma_semaphore, #tpu.memory_space<semaphore_mem>> -> memref<1x!tpu.dma_semaphore, #tpu.memory_space<semaphore_mem>>
            %dma_wait3A_522 = tpu.memref_squeeze %dma_wait3A_521 : memref<1x!tpu.dma_semaphore, #tpu.memory_space<semaphore_mem>> -> memref<!tpu.dma_semaphore, #tpu.memory_space<semaphore_mem>>
            tpu.wait_indirect_dma semaphore(%dma_wait3A_522 : memref<!tpu.dma_semaphore, #tpu.memory_space<semaphore_mem>>) src(%dma_wait3A_514 : memref<120x128xf32, #tpu.memory_space<vmem>>) dst(%dma_wait3A_520 : memref<10240x128xf32, #tpu.memory_space<vmem_shared>>)
          } else {
          }
          %dma_start3A_491 = arith.constant 4 : i32
          %dma_start3A_492 = arith.constant 0 : i32
          %dma_start3A_493 = arith.constant 1 : i32
          %dma_start3A_494 = arith.constant 1 : i32
          %dma_start3A_495 = arith.constant 0 : i32
          %dma_start3A_496 = arith.constant 0 : i32
          %dma_start3A_497 = tpu.memref_slice %arg7[%dma_start3A_493, %dma_start3A_495, %dma_start3A_496] : memref<3x120x128xf32, #tpu.memory_space<vmem>> -> memref<1x120x128xf32, #tpu.memory_space<vmem>>
          %dma_start3A_498 = tpu.memref_squeeze %dma_start3A_497 : memref<1x120x128xf32, #tpu.memory_space<vmem>> -> memref<120x128xf32, #tpu.memory_space<vmem>>
          %dma_start3A_499 = arith.constant 0 : i32
          %dma_start3A_500 = tpu.memref_slice %arg6[%dma_start3A_491, %dma_start3A_492, %dma_start3A_499] : memref<6x2x120xi32, #tpu.memory_space<vmem>> -> memref<1x1x120xi32, #tpu.memory_space<vmem>>
          %dma_start3A_501 = tpu.memref_squeeze %dma_start3A_500 : memref<1x1x120xi32, #tpu.memory_space<vmem>> -> memref<120xi32, #tpu.memory_space<vmem>>
          %dma_start3A_502 = arith.constant 0 : i32
          %dma_start3A_503 = arith.constant 0 : i32
          %dma_start3A_504 = tpu.memref_slice %arg2[%dma_start3A_502, %dma_start3A_503] : memref<80000x128xf32, #tpu.memory_space<hbm>> -> memref<80000x128xf32, #tpu.memory_space<hbm>>
          %dma_start3A_505 = tpu.memref_slice %arg10[%dma_start3A_494] : memref<3x!tpu.dma_semaphore, #tpu.memory_space<semaphore_mem>> -> memref<1x!tpu.dma_semaphore, #tpu.memory_space<semaphore_mem>>
          %dma_start3A_506 = tpu.memref_squeeze %dma_start3A_505 : memref<1x!tpu.dma_semaphore, #tpu.memory_space<semaphore_mem>> -> memref<!tpu.dma_semaphore, #tpu.memory_space<semaphore_mem>>
          tpu.enqueue_indirect_dma source(%dma_start3A_504 : memref<80000x128xf32, #tpu.memory_space<hbm>>) target(%dma_start3A_498 : memref<120x128xf32, #tpu.memory_space<vmem>>) offsets(%dma_start3A_501 : memref<120xi32, #tpu.memory_space<vmem>>) semaphore(%dma_start3A_506 : memref<!tpu.dma_semaphore, #tpu.memory_space<semaphore_mem>>)
        } else {
        }
        %add3A_330 = arith.constant 3 : i32
        %add3A_331 = arith.addi %add3A_322, %add3A_330 : i32
        %lt3A_332 = arith.constant 168 : i32
        %lt3A_333 = arith.cmpi slt, %add3A_331, %lt3A_332 : i32
        %convert_element_type3A_334 = arith.extui %lt3A_333 : i1 to i32
        %cond3A_335 = arith.constant 0 : i32
        %cond3A_336 = arith.cmpi ne, %convert_element_type3A_334, %cond3A_335 : i32
        scf.if %cond3A_336 {
          %add3A_465 = arith.constant 3 : i32
          %add3A_466 = arith.addi %add3A_322, %add3A_465 : i32
          %dma_start3A_467 = arith.constant 0 : i32
          %dma_start3A_468 = arith.constant 0 : i32
          %dma_start3A_469 = arith.constant 0 : i32
          %dma_start3A_470 = arith.constant 0 : i32
          %dma_start3A_471 = tpu.memref_slice %arg6[%dma_start3A_467, %dma_start3A_469, %dma_start3A_470] : memref<6x2x120xi32, #tpu.memory_space<vmem>> -> memref<1x2x120xi32, #tpu.memory_space<vmem>>
          %dma_start3A_472 = tpu.memref_squeeze %dma_start3A_471 : memref<1x2x120xi32, #tpu.memory_space<vmem>> -> memref<2x120xi32, #tpu.memory_space<vmem>>
          %dma_start3A_473 = arith.constant 0 : i32
          %dma_start3A_474 = arith.constant 0 : i32
          %dma_start3A_475 = tpu.memref_slice %arg3[%arg1, %add3A_466, %dma_start3A_473, %dma_start3A_474] : memref<16x168x2x120xi32, #tpu.memory_space<hbm>> -> memref<1x1x2x120xi32, #tpu.memory_space<hbm>>
          %dma_start3A_476 = tpu.memref_squeeze %dma_start3A_475 : memref<1x1x2x120xi32, #tpu.memory_space<hbm>> -> memref<2x120xi32, #tpu.memory_space<hbm>>
          %dma_start3A_477 = tpu.memref_slice %arg9[%dma_start3A_468] : memref<6x!tpu.dma_semaphore, #tpu.memory_space<semaphore_mem>> -> memref<1x!tpu.dma_semaphore, #tpu.memory_space<semaphore_mem>>
          %dma_start3A_478 = tpu.memref_squeeze %dma_start3A_477 : memref<1x!tpu.dma_semaphore, #tpu.memory_space<semaphore_mem>> -> memref<!tpu.dma_semaphore, #tpu.memory_space<semaphore_mem>>
          %dma_start3A_479 = arith.constant 0 : i32
          %dma_start3A_480 = arith.constant 0 : i32
          %dma_start3A_481 = tpu.memref_slice %arg6[%dma_start3A_467, %dma_start3A_479, %dma_start3A_480] : memref<6x2x120xi32, #tpu.memory_space<vmem>> -> memref<1x2x120xi32, #tpu.memory_space<vmem>>
          %dma_start3A_482 = tpu.memref_squeeze %dma_start3A_481 : memref<1x2x120xi32, #tpu.memory_space<vmem>> -> memref<2x120xi32, #tpu.memory_space<vmem>>
          %dma_start3A_483 = arith.constant 0 : i32
          %dma_start3A_484 = arith.constant 0 : i32
          %dma_start3A_485 = tpu.memref_slice %arg3[%arg1, %add3A_466, %dma_start3A_483, %dma_start3A_484] : memref<16x168x2x120xi32, #tpu.memory_space<hbm>> -> memref<1x1x2x120xi32, #tpu.memory_space<hbm>>
          %dma_start3A_486 = tpu.memref_squeeze %dma_start3A_485 : memref<1x1x2x120xi32, #tpu.memory_space<hbm>> -> memref<2x120xi32, #tpu.memory_space<hbm>>
          tpu.enqueue_dma source(%dma_start3A_486 : memref<2x120xi32, #tpu.memory_space<hbm>>) target(%dma_start3A_482 : memref<2x120xi32, #tpu.memory_space<vmem>>) target_semaphore(%dma_start3A_478 : memref<!tpu.dma_semaphore, #tpu.memory_space<semaphore_mem>>)
        } else {
        }
        %dma_wait3A_337 = arith.constant 3 : i32
        %dma_wait3A_338 = arith.constant 0 : i32
        %dma_wait3A_339 = arith.constant 0 : i32
        %dma_wait3A_340 = arith.constant 0 : i32
        %dma_wait3A_341 = arith.constant 0 : i32
        %dma_wait3A_342 = arith.constant 0 : i32
        %dma_wait3A_343 = tpu.memref_slice %arg7[%dma_wait3A_339, %dma_wait3A_341, %dma_wait3A_342] : memref<3x120x128xf32, #tpu.memory_space<vmem>> -> memref<1x120x128xf32, #tpu.memory_space<vmem>>
        %dma_wait3A_344 = tpu.memref_squeeze %dma_wait3A_343 : memref<1x120x128xf32, #tpu.memory_space<vmem>> -> memref<120x128xf32, #tpu.memory_space<vmem>>
        %dma_wait3A_345 = arith.constant 0 : i32
        %dma_wait3A_346 = tpu.memref_slice %arg6[%dma_wait3A_337, %dma_wait3A_338, %dma_wait3A_345] : memref<6x2x120xi32, #tpu.memory_space<vmem>> -> memref<1x1x120xi32, #tpu.memory_space<vmem>>
        %dma_wait3A_347 = tpu.memref_squeeze %dma_wait3A_346 : memref<1x1x120xi32, #tpu.memory_space<vmem>> -> memref<120xi32, #tpu.memory_space<vmem>>
        %dma_wait3A_348 = arith.constant 0 : i32
        %dma_wait3A_349 = arith.constant 0 : i32
        %dma_wait3A_350 = tpu.memref_slice %arg2[%dma_wait3A_348, %dma_wait3A_349] : memref<80000x128xf32, #tpu.memory_space<hbm>> -> memref<80000x128xf32, #tpu.memory_space<hbm>>
        %dma_wait3A_351 = tpu.memref_slice %arg10[%dma_wait3A_340] : memref<3x!tpu.dma_semaphore, #tpu.memory_space<semaphore_mem>> -> memref<1x!tpu.dma_semaphore, #tpu.memory_space<semaphore_mem>>
        %dma_wait3A_352 = tpu.memref_squeeze %dma_wait3A_351 : memref<1x!tpu.dma_semaphore, #tpu.memory_space<semaphore_mem>> -> memref<!tpu.dma_semaphore, #tpu.memory_space<semaphore_mem>>
        tpu.wait_indirect_dma semaphore(%dma_wait3A_352 : memref<!tpu.dma_semaphore, #tpu.memory_space<semaphore_mem>>) src(%dma_wait3A_350 : memref<80000x128xf32, #tpu.memory_space<hbm>>) dst(%dma_wait3A_344 : memref<120x128xf32, #tpu.memory_space<vmem>>)
        %dma_start3A_353 = arith.constant 0 : i32
        %dma_start3A_354 = arith.constant 3 : i32
        %dma_start3A_355 = arith.constant 1 : i32
        %dma_start3A_356 = arith.constant 0 : i32
        %dma_start3A_357 = arith.constant 0 : i32
        %dma_start3A_358 = arith.constant 0 : i32
        %dma_start3A_359 = tpu.memref_slice %arg7[%dma_start3A_353, %dma_start3A_357, %dma_start3A_358] : memref<3x120x128xf32, #tpu.memory_space<vmem>> -> memref<1x120x128xf32, #tpu.memory_space<vmem>>
        %dma_start3A_360 = tpu.memref_squeeze %dma_start3A_359 : memref<1x120x128xf32, #tpu.memory_space<vmem>> -> memref<120x128xf32, #tpu.memory_space<vmem>>
        %dma_start3A_361 = arith.constant 0 : i32
        %dma_start3A_362 = tpu.memref_slice %arg6[%dma_start3A_354, %dma_start3A_355, %dma_start3A_361] : memref<6x2x120xi32, #tpu.memory_space<vmem>> -> memref<1x1x120xi32, #tpu.memory_space<vmem>>
        %dma_start3A_363 = tpu.memref_squeeze %dma_start3A_362 : memref<1x1x120xi32, #tpu.memory_space<vmem>> -> memref<120xi32, #tpu.memory_space<vmem>>
        %dma_start3A_364 = arith.constant 0 : i32
        %dma_start3A_365 = arith.constant 0 : i32
        %dma_start3A_366 = tpu.memref_slice %arg8[%dma_start3A_364, %dma_start3A_365] : memref<10240x128xf32, #tpu.memory_space<vmem_shared>> -> memref<10240x128xf32, #tpu.memory_space<vmem_shared>>
        %dma_start3A_367 = tpu.memref_slice %arg11[%dma_start3A_356] : memref<3x!tpu.dma_semaphore, #tpu.memory_space<semaphore_mem>> -> memref<1x!tpu.dma_semaphore, #tpu.memory_space<semaphore_mem>>
        %dma_start3A_368 = tpu.memref_squeeze %dma_start3A_367 : memref<1x!tpu.dma_semaphore, #tpu.memory_space<semaphore_mem>> -> memref<!tpu.dma_semaphore, #tpu.memory_space<semaphore_mem>>
        tpu.enqueue_indirect_dma source(%dma_start3A_360 : memref<120x128xf32, #tpu.memory_space<vmem>>) target(%dma_start3A_366 : memref<10240x128xf32, #tpu.memory_space<vmem_shared>>) offsets(%dma_start3A_363 : memref<120xi32, #tpu.memory_space<vmem>>) semaphore(%dma_start3A_368 : memref<!tpu.dma_semaphore, #tpu.memory_space<semaphore_mem>>) {add = true}
        %add3A_369 = arith.constant 4 : i32
        %add3A_370 = arith.addi %add3A_176, %add3A_369 : i32
        %add3A_371 = arith.constant 1 : i32
        %add3A_372 = arith.addi %add3A_370, %add3A_371 : i32
        %lt3A_373 = arith.constant 168 : i32
        %lt3A_374 = arith.cmpi slt, %add3A_372, %lt3A_373 : i32
        %convert_element_type3A_375 = arith.extui %lt3A_374 : i1 to i32
        %cond3A_376 = arith.constant 0 : i32
        %cond3A_377 = arith.cmpi ne, %convert_element_type3A_375, %cond3A_376 : i32
        scf.if %cond3A_377 {
          %add3A_465 = arith.constant 1 : i32
          %add3A_466 = arith.addi %add3A_370, %add3A_465 : i32
          %dma_wait3A_467 = arith.constant 5 : i32
          %dma_wait3A_468 = arith.constant 5 : i32
          %dma_wait3A_469 = arith.constant 0 : i32
          %dma_wait3A_470 = arith.constant 0 : i32
          %dma_wait3A_471 = tpu.memref_slice %arg6[%dma_wait3A_467, %dma_wait3A_469, %dma_wait3A_470] : memref<6x2x120xi32, #tpu.memory_space<vmem>> -> memref<1x2x120xi32, #tpu.memory_space<vmem>>
          %dma_wait3A_472 = tpu.memref_squeeze %dma_wait3A_471 : memref<1x2x120xi32, #tpu.memory_space<vmem>> -> memref<2x120xi32, #tpu.memory_space<vmem>>
          %dma_wait3A_473 = arith.constant 0 : i32
          %dma_wait3A_474 = arith.constant 0 : i32
          %dma_wait3A_475 = tpu.memref_slice %arg3[%arg1, %add3A_466, %dma_wait3A_473, %dma_wait3A_474] : memref<16x168x2x120xi32, #tpu.memory_space<hbm>> -> memref<1x1x2x120xi32, #tpu.memory_space<hbm>>
          %dma_wait3A_476 = tpu.memref_squeeze %dma_wait3A_475 : memref<1x1x2x120xi32, #tpu.memory_space<hbm>> -> memref<2x120xi32, #tpu.memory_space<hbm>>
          %dma_wait3A_477 = tpu.memref_slice %arg9[%dma_wait3A_468] : memref<6x!tpu.dma_semaphore, #tpu.memory_space<semaphore_mem>> -> memref<1x!tpu.dma_semaphore, #tpu.memory_space<semaphore_mem>>
          %dma_wait3A_478 = tpu.memref_squeeze %dma_wait3A_477 : memref<1x!tpu.dma_semaphore, #tpu.memory_space<semaphore_mem>> -> memref<!tpu.dma_semaphore, #tpu.memory_space<semaphore_mem>>
          %dma_wait3A_479 = arith.constant 0 : i32
          %dma_wait3A_480 = arith.constant 0 : i32
          %dma_wait3A_481 = tpu.memref_slice %arg6[%dma_wait3A_467, %dma_wait3A_479, %dma_wait3A_480] : memref<6x2x120xi32, #tpu.memory_space<vmem>> -> memref<1x2x120xi32, #tpu.memory_space<vmem>>
          %dma_wait3A_482 = tpu.memref_squeeze %dma_wait3A_481 : memref<1x2x120xi32, #tpu.memory_space<vmem>> -> memref<2x120xi32, #tpu.memory_space<vmem>>
          %dma_wait3A_483 = arith.constant 0 : i32
          %dma_wait3A_484 = arith.constant 0 : i32
          %dma_wait3A_485 = tpu.memref_slice %arg3[%arg1, %add3A_466, %dma_wait3A_483, %dma_wait3A_484] : memref<16x168x2x120xi32, #tpu.memory_space<hbm>> -> memref<1x1x2x120xi32, #tpu.memory_space<hbm>>
          %dma_wait3A_486 = tpu.memref_squeeze %dma_wait3A_485 : memref<1x1x2x120xi32, #tpu.memory_space<hbm>> -> memref<2x120xi32, #tpu.memory_space<hbm>>
          tpu.wait_dma2 semaphore(%dma_wait3A_478 : memref<!tpu.dma_semaphore, #tpu.memory_space<semaphore_mem>>) src(%dma_wait3A_486 : memref<2x120xi32, #tpu.memory_space<hbm>>) dst(%dma_wait3A_482 : memref<2x120xi32, #tpu.memory_space<vmem>>)
          %ge3A = arith.constant 2 : i32
          %ge3A_487 = arith.cmpi sge, %add3A_370, %ge3A : i32
          %convert_element_type3A_488 = arith.extui %ge3A_487 : i1 to i32
          %cond3A_489 = arith.constant 0 : i32
          %cond3A_490 = arith.cmpi ne, %convert_element_type3A_488, %cond3A_489 : i32
          scf.if %cond3A_490 {
            %dma_wait3A_507 = arith.constant 2 : i32
            %dma_wait3A_508 = arith.constant 2 : i32
            %dma_wait3A_509 = arith.constant 1 : i32
            %dma_wait3A_510 = arith.constant 2 : i32
            %dma_wait3A_511 = arith.constant 0 : i32
            %dma_wait3A_512 = arith.constant 0 : i32
            %dma_wait3A_513 = tpu.memref_slice %arg7[%dma_wait3A_507, %dma_wait3A_511, %dma_wait3A_512] : memref<3x120x128xf32, #tpu.memory_space<vmem>> -> memref<1x120x128xf32, #tpu.memory_space<vmem>>
            %dma_wait3A_514 = tpu.memref_squeeze %dma_wait3A_513 : memref<1x120x128xf32, #tpu.memory_space<vmem>> -> memref<120x128xf32, #tpu.memory_space<vmem>>
            %dma_wait3A_515 = arith.constant 0 : i32
            %dma_wait3A_516 = tpu.memref_slice %arg6[%dma_wait3A_508, %dma_wait3A_509, %dma_wait3A_515] : memref<6x2x120xi32, #tpu.memory_space<vmem>> -> memref<1x1x120xi32, #tpu.memory_space<vmem>>
            %dma_wait3A_517 = tpu.memref_squeeze %dma_wait3A_516 : memref<1x1x120xi32, #tpu.memory_space<vmem>> -> memref<120xi32, #tpu.memory_space<vmem>>
            %dma_wait3A_518 = arith.constant 0 : i32
            %dma_wait3A_519 = arith.constant 0 : i32
            %dma_wait3A_520 = tpu.memref_slice %arg8[%dma_wait3A_518, %dma_wait3A_519] : memref<10240x128xf32, #tpu.memory_space<vmem_shared>> -> memref<10240x128xf32, #tpu.memory_space<vmem_shared>>
            %dma_wait3A_521 = tpu.memref_slice %arg11[%dma_wait3A_510] : memref<3x!tpu.dma_semaphore, #tpu.memory_space<semaphore_mem>> -> memref<1x!tpu.dma_semaphore, #tpu.memory_space<semaphore_mem>>
            %dma_wait3A_522 = tpu.memref_squeeze %dma_wait3A_521 : memref<1x!tpu.dma_semaphore, #tpu.memory_space<semaphore_mem>> -> memref<!tpu.dma_semaphore, #tpu.memory_space<semaphore_mem>>
            tpu.wait_indirect_dma semaphore(%dma_wait3A_522 : memref<!tpu.dma_semaphore, #tpu.memory_space<semaphore_mem>>) src(%dma_wait3A_514 : memref<120x128xf32, #tpu.memory_space<vmem>>) dst(%dma_wait3A_520 : memref<10240x128xf32, #tpu.memory_space<vmem_shared>>)
          } else {
          }
          %dma_start3A_491 = arith.constant 5 : i32
          %dma_start3A_492 = arith.constant 0 : i32
          %dma_start3A_493 = arith.constant 2 : i32
          %dma_start3A_494 = arith.constant 2 : i32
          %dma_start3A_495 = arith.constant 0 : i32
          %dma_start3A_496 = arith.constant 0 : i32
          %dma_start3A_497 = tpu.memref_slice %arg7[%dma_start3A_493, %dma_start3A_495, %dma_start3A_496] : memref<3x120x128xf32, #tpu.memory_space<vmem>> -> memref<1x120x128xf32, #tpu.memory_space<vmem>>
          %dma_start3A_498 = tpu.memref_squeeze %dma_start3A_497 : memref<1x120x128xf32, #tpu.memory_space<vmem>> -> memref<120x128xf32, #tpu.memory_space<vmem>>
          %dma_start3A_499 = arith.constant 0 : i32
          %dma_start3A_500 = tpu.memref_slice %arg6[%dma_start3A_491, %dma_start3A_492, %dma_start3A_499] : memref<6x2x120xi32, #tpu.memory_space<vmem>> -> memref<1x1x120xi32, #tpu.memory_space<vmem>>
          %dma_start3A_501 = tpu.memref_squeeze %dma_start3A_500 : memref<1x1x120xi32, #tpu.memory_space<vmem>> -> memref<120xi32, #tpu.memory_space<vmem>>
          %dma_start3A_502 = arith.constant 0 : i32
          %dma_start3A_503 = arith.constant 0 : i32
          %dma_start3A_504 = tpu.memref_slice %arg2[%dma_start3A_502, %dma_start3A_503] : memref<80000x128xf32, #tpu.memory_space<hbm>> -> memref<80000x128xf32, #tpu.memory_space<hbm>>
          %dma_start3A_505 = tpu.memref_slice %arg10[%dma_start3A_494] : memref<3x!tpu.dma_semaphore, #tpu.memory_space<semaphore_mem>> -> memref<1x!tpu.dma_semaphore, #tpu.memory_space<semaphore_mem>>
          %dma_start3A_506 = tpu.memref_squeeze %dma_start3A_505 : memref<1x!tpu.dma_semaphore, #tpu.memory_space<semaphore_mem>> -> memref<!tpu.dma_semaphore, #tpu.memory_space<semaphore_mem>>
          tpu.enqueue_indirect_dma source(%dma_start3A_504 : memref<80000x128xf32, #tpu.memory_space<hbm>>) target(%dma_start3A_498 : memref<120x128xf32, #tpu.memory_space<vmem>>) offsets(%dma_start3A_501 : memref<120xi32, #tpu.memory_space<vmem>>) semaphore(%dma_start3A_506 : memref<!tpu.dma_semaphore, #tpu.memory_space<semaphore_mem>>)
        } else {
        }
        %add3A_378 = arith.constant 3 : i32
        %add3A_379 = arith.addi %add3A_370, %add3A_378 : i32
        %lt3A_380 = arith.constant 168 : i32
        %lt3A_381 = arith.cmpi slt, %add3A_379, %lt3A_380 : i32
        %convert_element_type3A_382 = arith.extui %lt3A_381 : i1 to i32
        %cond3A_383 = arith.constant 0 : i32
        %cond3A_384 = arith.cmpi ne, %convert_element_type3A_382, %cond3A_383 : i32
        scf.if %cond3A_384 {
          %add3A_465 = arith.constant 3 : i32
          %add3A_466 = arith.addi %add3A_370, %add3A_465 : i32
          %dma_start3A_467 = arith.constant 1 : i32
          %dma_start3A_468 = arith.constant 1 : i32
          %dma_start3A_469 = arith.constant 0 : i32
          %dma_start3A_470 = arith.constant 0 : i32
          %dma_start3A_471 = tpu.memref_slice %arg6[%dma_start3A_467, %dma_start3A_469, %dma_start3A_470] : memref<6x2x120xi32, #tpu.memory_space<vmem>> -> memref<1x2x120xi32, #tpu.memory_space<vmem>>
          %dma_start3A_472 = tpu.memref_squeeze %dma_start3A_471 : memref<1x2x120xi32, #tpu.memory_space<vmem>> -> memref<2x120xi32, #tpu.memory_space<vmem>>
          %dma_start3A_473 = arith.constant 0 : i32
          %dma_start3A_474 = arith.constant 0 : i32
          %dma_start3A_475 = tpu.memref_slice %arg3[%arg1, %add3A_466, %dma_start3A_473, %dma_start3A_474] : memref<16x168x2x120xi32, #tpu.memory_space<hbm>> -> memref<1x1x2x120xi32, #tpu.memory_space<hbm>>
          %dma_start3A_476 = tpu.memref_squeeze %dma_start3A_475 : memref<1x1x2x120xi32, #tpu.memory_space<hbm>> -> memref<2x120xi32, #tpu.memory_space<hbm>>
          %dma_start3A_477 = tpu.memref_slice %arg9[%dma_start3A_468] : memref<6x!tpu.dma_semaphore, #tpu.memory_space<semaphore_mem>> -> memref<1x!tpu.dma_semaphore, #tpu.memory_space<semaphore_mem>>
          %dma_start3A_478 = tpu.memref_squeeze %dma_start3A_477 : memref<1x!tpu.dma_semaphore, #tpu.memory_space<semaphore_mem>> -> memref<!tpu.dma_semaphore, #tpu.memory_space<semaphore_mem>>
          %dma_start3A_479 = arith.constant 0 : i32
          %dma_start3A_480 = arith.constant 0 : i32
          %dma_start3A_481 = tpu.memref_slice %arg6[%dma_start3A_467, %dma_start3A_479, %dma_start3A_480] : memref<6x2x120xi32, #tpu.memory_space<vmem>> -> memref<1x2x120xi32, #tpu.memory_space<vmem>>
          %dma_start3A_482 = tpu.memref_squeeze %dma_start3A_481 : memref<1x2x120xi32, #tpu.memory_space<vmem>> -> memref<2x120xi32, #tpu.memory_space<vmem>>
          %dma_start3A_483 = arith.constant 0 : i32
          %dma_start3A_484 = arith.constant 0 : i32
          %dma_start3A_485 = tpu.memref_slice %arg3[%arg1, %add3A_466, %dma_start3A_483, %dma_start3A_484] : memref<16x168x2x120xi32, #tpu.memory_space<hbm>> -> memref<1x1x2x120xi32, #tpu.memory_space<hbm>>
          %dma_start3A_486 = tpu.memref_squeeze %dma_start3A_485 : memref<1x1x2x120xi32, #tpu.memory_space<hbm>> -> memref<2x120xi32, #tpu.memory_space<hbm>>
          tpu.enqueue_dma source(%dma_start3A_486 : memref<2x120xi32, #tpu.memory_space<hbm>>) target(%dma_start3A_482 : memref<2x120xi32, #tpu.memory_space<vmem>>) target_semaphore(%dma_start3A_478 : memref<!tpu.dma_semaphore, #tpu.memory_space<semaphore_mem>>)
        } else {
        }
        %dma_wait3A_385 = arith.constant 4 : i32
        %dma_wait3A_386 = arith.constant 0 : i32
        %dma_wait3A_387 = arith.constant 1 : i32
        %dma_wait3A_388 = arith.constant 1 : i32
        %dma_wait3A_389 = arith.constant 0 : i32
        %dma_wait3A_390 = arith.constant 0 : i32
        %dma_wait3A_391 = tpu.memref_slice %arg7[%dma_wait3A_387, %dma_wait3A_389, %dma_wait3A_390] : memref<3x120x128xf32, #tpu.memory_space<vmem>> -> memref<1x120x128xf32, #tpu.memory_space<vmem>>
        %dma_wait3A_392 = tpu.memref_squeeze %dma_wait3A_391 : memref<1x120x128xf32, #tpu.memory_space<vmem>> -> memref<120x128xf32, #tpu.memory_space<vmem>>
        %dma_wait3A_393 = arith.constant 0 : i32
        %dma_wait3A_394 = tpu.memref_slice %arg6[%dma_wait3A_385, %dma_wait3A_386, %dma_wait3A_393] : memref<6x2x120xi32, #tpu.memory_space<vmem>> -> memref<1x1x120xi32, #tpu.memory_space<vmem>>
        %dma_wait3A_395 = tpu.memref_squeeze %dma_wait3A_394 : memref<1x1x120xi32, #tpu.memory_space<vmem>> -> memref<120xi32, #tpu.memory_space<vmem>>
        %dma_wait3A_396 = arith.constant 0 : i32
        %dma_wait3A_397 = arith.constant 0 : i32
        %dma_wait3A_398 = tpu.memref_slice %arg2[%dma_wait3A_396, %dma_wait3A_397] : memref<80000x128xf32, #tpu.memory_space<hbm>> -> memref<80000x128xf32, #tpu.memory_space<hbm>>
        %dma_wait3A_399 = tpu.memref_slice %arg10[%dma_wait3A_388] : memref<3x!tpu.dma_semaphore, #tpu.memory_space<semaphore_mem>> -> memref<1x!tpu.dma_semaphore, #tpu.memory_space<semaphore_mem>>
        %dma_wait3A_400 = tpu.memref_squeeze %dma_wait3A_399 : memref<1x!tpu.dma_semaphore, #tpu.memory_space<semaphore_mem>> -> memref<!tpu.dma_semaphore, #tpu.memory_space<semaphore_mem>>
        tpu.wait_indirect_dma semaphore(%dma_wait3A_400 : memref<!tpu.dma_semaphore, #tpu.memory_space<semaphore_mem>>) src(%dma_wait3A_398 : memref<80000x128xf32, #tpu.memory_space<hbm>>) dst(%dma_wait3A_392 : memref<120x128xf32, #tpu.memory_space<vmem>>)
        %dma_start3A_401 = arith.constant 1 : i32
        %dma_start3A_402 = arith.constant 4 : i32
        %dma_start3A_403 = arith.constant 1 : i32
        %dma_start3A_404 = arith.constant 1 : i32
        %dma_start3A_405 = arith.constant 0 : i32
        %dma_start3A_406 = arith.constant 0 : i32
        %dma_start3A_407 = tpu.memref_slice %arg7[%dma_start3A_401, %dma_start3A_405, %dma_start3A_406] : memref<3x120x128xf32, #tpu.memory_space<vmem>> -> memref<1x120x128xf32, #tpu.memory_space<vmem>>
        %dma_start3A_408 = tpu.memref_squeeze %dma_start3A_407 : memref<1x120x128xf32, #tpu.memory_space<vmem>> -> memref<120x128xf32, #tpu.memory_space<vmem>>
        %dma_start3A_409 = arith.constant 0 : i32
        %dma_start3A_410 = tpu.memref_slice %arg6[%dma_start3A_402, %dma_start3A_403, %dma_start3A_409] : memref<6x2x120xi32, #tpu.memory_space<vmem>> -> memref<1x1x120xi32, #tpu.memory_space<vmem>>
        %dma_start3A_411 = tpu.memref_squeeze %dma_start3A_410 : memref<1x1x120xi32, #tpu.memory_space<vmem>> -> memref<120xi32, #tpu.memory_space<vmem>>
        %dma_start3A_412 = arith.constant 0 : i32
        %dma_start3A_413 = arith.constant 0 : i32
        %dma_start3A_414 = tpu.memref_slice %arg8[%dma_start3A_412, %dma_start3A_413] : memref<10240x128xf32, #tpu.memory_space<vmem_shared>> -> memref<10240x128xf32, #tpu.memory_space<vmem_shared>>
        %dma_start3A_415 = tpu.memref_slice %arg11[%dma_start3A_404] : memref<3x!tpu.dma_semaphore, #tpu.memory_space<semaphore_mem>> -> memref<1x!tpu.dma_semaphore, #tpu.memory_space<semaphore_mem>>
        %dma_start3A_416 = tpu.memref_squeeze %dma_start3A_415 : memref<1x!tpu.dma_semaphore, #tpu.memory_space<semaphore_mem>> -> memref<!tpu.dma_semaphore, #tpu.memory_space<semaphore_mem>>
        tpu.enqueue_indirect_dma source(%dma_start3A_408 : memref<120x128xf32, #tpu.memory_space<vmem>>) target(%dma_start3A_414 : memref<10240x128xf32, #tpu.memory_space<vmem_shared>>) offsets(%dma_start3A_411 : memref<120xi32, #tpu.memory_space<vmem>>) semaphore(%dma_start3A_416 : memref<!tpu.dma_semaphore, #tpu.memory_space<semaphore_mem>>) {add = true}
        %add3A_417 = arith.constant 5 : i32
        %add3A_418 = arith.addi %add3A_176, %add3A_417 : i32
        %add3A_419 = arith.constant 1 : i32
        %add3A_420 = arith.addi %add3A_418, %add3A_419 : i32
        %lt3A_421 = arith.constant 168 : i32
        %lt3A_422 = arith.cmpi slt, %add3A_420, %lt3A_421 : i32
        %convert_element_type3A_423 = arith.extui %lt3A_422 : i1 to i32
        %cond3A_424 = arith.constant 0 : i32
        %cond3A_425 = arith.cmpi ne, %convert_element_type3A_423, %cond3A_424 : i32
        scf.if %cond3A_425 {
          %add3A_465 = arith.constant 1 : i32
          %add3A_466 = arith.addi %add3A_418, %add3A_465 : i32
          %dma_wait3A_467 = arith.constant 0 : i32
          %dma_wait3A_468 = arith.constant 0 : i32
          %dma_wait3A_469 = arith.constant 0 : i32
          %dma_wait3A_470 = arith.constant 0 : i32
          %dma_wait3A_471 = tpu.memref_slice %arg6[%dma_wait3A_467, %dma_wait3A_469, %dma_wait3A_470] : memref<6x2x120xi32, #tpu.memory_space<vmem>> -> memref<1x2x120xi32, #tpu.memory_space<vmem>>
          %dma_wait3A_472 = tpu.memref_squeeze %dma_wait3A_471 : memref<1x2x120xi32, #tpu.memory_space<vmem>> -> memref<2x120xi32, #tpu.memory_space<vmem>>
          %dma_wait3A_473 = arith.constant 0 : i32
          %dma_wait3A_474 = arith.constant 0 : i32
          %dma_wait3A_475 = tpu.memref_slice %arg3[%arg1, %add3A_466, %dma_wait3A_473, %dma_wait3A_474] : memref<16x168x2x120xi32, #tpu.memory_space<hbm>> -> memref<1x1x2x120xi32, #tpu.memory_space<hbm>>
          %dma_wait3A_476 = tpu.memref_squeeze %dma_wait3A_475 : memref<1x1x2x120xi32, #tpu.memory_space<hbm>> -> memref<2x120xi32, #tpu.memory_space<hbm>>
          %dma_wait3A_477 = tpu.memref_slice %arg9[%dma_wait3A_468] : memref<6x!tpu.dma_semaphore, #tpu.memory_space<semaphore_mem>> -> memref<1x!tpu.dma_semaphore, #tpu.memory_space<semaphore_mem>>
          %dma_wait3A_478 = tpu.memref_squeeze %dma_wait3A_477 : memref<1x!tpu.dma_semaphore, #tpu.memory_space<semaphore_mem>> -> memref<!tpu.dma_semaphore, #tpu.memory_space<semaphore_mem>>
          %dma_wait3A_479 = arith.constant 0 : i32
          %dma_wait3A_480 = arith.constant 0 : i32
          %dma_wait3A_481 = tpu.memref_slice %arg6[%dma_wait3A_467, %dma_wait3A_479, %dma_wait3A_480] : memref<6x2x120xi32, #tpu.memory_space<vmem>> -> memref<1x2x120xi32, #tpu.memory_space<vmem>>
          %dma_wait3A_482 = tpu.memref_squeeze %dma_wait3A_481 : memref<1x2x120xi32, #tpu.memory_space<vmem>> -> memref<2x120xi32, #tpu.memory_space<vmem>>
          %dma_wait3A_483 = arith.constant 0 : i32
          %dma_wait3A_484 = arith.constant 0 : i32
          %dma_wait3A_485 = tpu.memref_slice %arg3[%arg1, %add3A_466, %dma_wait3A_483, %dma_wait3A_484] : memref<16x168x2x120xi32, #tpu.memory_space<hbm>> -> memref<1x1x2x120xi32, #tpu.memory_space<hbm>>
          %dma_wait3A_486 = tpu.memref_squeeze %dma_wait3A_485 : memref<1x1x2x120xi32, #tpu.memory_space<hbm>> -> memref<2x120xi32, #tpu.memory_space<hbm>>
          tpu.wait_dma2 semaphore(%dma_wait3A_478 : memref<!tpu.dma_semaphore, #tpu.memory_space<semaphore_mem>>) src(%dma_wait3A_486 : memref<2x120xi32, #tpu.memory_space<hbm>>) dst(%dma_wait3A_482 : memref<2x120xi32, #tpu.memory_space<vmem>>)
          %ge3A = arith.constant 2 : i32
          %ge3A_487 = arith.cmpi sge, %add3A_418, %ge3A : i32
          %convert_element_type3A_488 = arith.extui %ge3A_487 : i1 to i32
          %cond3A_489 = arith.constant 0 : i32
          %cond3A_490 = arith.cmpi ne, %convert_element_type3A_488, %cond3A_489 : i32
          scf.if %cond3A_490 {
            %dma_wait3A_507 = arith.constant 0 : i32
            %dma_wait3A_508 = arith.constant 3 : i32
            %dma_wait3A_509 = arith.constant 1 : i32
            %dma_wait3A_510 = arith.constant 0 : i32
            %dma_wait3A_511 = arith.constant 0 : i32
            %dma_wait3A_512 = arith.constant 0 : i32
            %dma_wait3A_513 = tpu.memref_slice %arg7[%dma_wait3A_507, %dma_wait3A_511, %dma_wait3A_512] : memref<3x120x128xf32, #tpu.memory_space<vmem>> -> memref<1x120x128xf32, #tpu.memory_space<vmem>>
            %dma_wait3A_514 = tpu.memref_squeeze %dma_wait3A_513 : memref<1x120x128xf32, #tpu.memory_space<vmem>> -> memref<120x128xf32, #tpu.memory_space<vmem>>
            %dma_wait3A_515 = arith.constant 0 : i32
            %dma_wait3A_516 = tpu.memref_slice %arg6[%dma_wait3A_508, %dma_wait3A_509, %dma_wait3A_515] : memref<6x2x120xi32, #tpu.memory_space<vmem>> -> memref<1x1x120xi32, #tpu.memory_space<vmem>>
            %dma_wait3A_517 = tpu.memref_squeeze %dma_wait3A_516 : memref<1x1x120xi32, #tpu.memory_space<vmem>> -> memref<120xi32, #tpu.memory_space<vmem>>
            %dma_wait3A_518 = arith.constant 0 : i32
            %dma_wait3A_519 = arith.constant 0 : i32
            %dma_wait3A_520 = tpu.memref_slice %arg8[%dma_wait3A_518, %dma_wait3A_519] : memref<10240x128xf32, #tpu.memory_space<vmem_shared>> -> memref<10240x128xf32, #tpu.memory_space<vmem_shared>>
            %dma_wait3A_521 = tpu.memref_slice %arg11[%dma_wait3A_510] : memref<3x!tpu.dma_semaphore, #tpu.memory_space<semaphore_mem>> -> memref<1x!tpu.dma_semaphore, #tpu.memory_space<semaphore_mem>>
            %dma_wait3A_522 = tpu.memref_squeeze %dma_wait3A_521 : memref<1x!tpu.dma_semaphore, #tpu.memory_space<semaphore_mem>> -> memref<!tpu.dma_semaphore, #tpu.memory_space<semaphore_mem>>
            tpu.wait_indirect_dma semaphore(%dma_wait3A_522 : memref<!tpu.dma_semaphore, #tpu.memory_space<semaphore_mem>>) src(%dma_wait3A_514 : memref<120x128xf32, #tpu.memory_space<vmem>>) dst(%dma_wait3A_520 : memref<10240x128xf32, #tpu.memory_space<vmem_shared>>)
          } else {
          }
          %dma_start3A_491 = arith.constant 0 : i32
          %dma_start3A_492 = arith.constant 0 : i32
          %dma_start3A_493 = arith.constant 0 : i32
          %dma_start3A_494 = arith.constant 0 : i32
          %dma_start3A_495 = arith.constant 0 : i32
          %dma_start3A_496 = arith.constant 0 : i32
          %dma_start3A_497 = tpu.memref_slice %arg7[%dma_start3A_493, %dma_start3A_495, %dma_start3A_496] : memref<3x120x128xf32, #tpu.memory_space<vmem>> -> memref<1x120x128xf32, #tpu.memory_space<vmem>>
          %dma_start3A_498 = tpu.memref_squeeze %dma_start3A_497 : memref<1x120x128xf32, #tpu.memory_space<vmem>> -> memref<120x128xf32, #tpu.memory_space<vmem>>
          %dma_start3A_499 = arith.constant 0 : i32
          %dma_start3A_500 = tpu.memref_slice %arg6[%dma_start3A_491, %dma_start3A_492, %dma_start3A_499] : memref<6x2x120xi32, #tpu.memory_space<vmem>> -> memref<1x1x120xi32, #tpu.memory_space<vmem>>
          %dma_start3A_501 = tpu.memref_squeeze %dma_start3A_500 : memref<1x1x120xi32, #tpu.memory_space<vmem>> -> memref<120xi32, #tpu.memory_space<vmem>>
          %dma_start3A_502 = arith.constant 0 : i32
          %dma_start3A_503 = arith.constant 0 : i32
          %dma_start3A_504 = tpu.memref_slice %arg2[%dma_start3A_502, %dma_start3A_503] : memref<80000x128xf32, #tpu.memory_space<hbm>> -> memref<80000x128xf32, #tpu.memory_space<hbm>>
          %dma_start3A_505 = tpu.memref_slice %arg10[%dma_start3A_494] : memref<3x!tpu.dma_semaphore, #tpu.memory_space<semaphore_mem>> -> memref<1x!tpu.dma_semaphore, #tpu.memory_space<semaphore_mem>>
          %dma_start3A_506 = tpu.memref_squeeze %dma_start3A_505 : memref<1x!tpu.dma_semaphore, #tpu.memory_space<semaphore_mem>> -> memref<!tpu.dma_semaphore, #tpu.memory_space<semaphore_mem>>
          tpu.enqueue_indirect_dma source(%dma_start3A_504 : memref<80000x128xf32, #tpu.memory_space<hbm>>) target(%dma_start3A_498 : memref<120x128xf32, #tpu.memory_space<vmem>>) offsets(%dma_start3A_501 : memref<120xi32, #tpu.memory_space<vmem>>) semaphore(%dma_start3A_506 : memref<!tpu.dma_semaphore, #tpu.memory_space<semaphore_mem>>)
        } else {
        }
        %add3A_426 = arith.constant 3 : i32
        %add3A_427 = arith.addi %add3A_418, %add3A_426 : i32
        %lt3A_428 = arith.constant 168 : i32
        %lt3A_429 = arith.cmpi slt, %add3A_427, %lt3A_428 : i32
        %convert_element_type3A_430 = arith.extui %lt3A_429 : i1 to i32
        %cond3A_431 = arith.constant 0 : i32
        %cond3A_432 = arith.cmpi ne, %convert_element_type3A_430, %cond3A_431 : i32
        scf.if %cond3A_432 {
          %add3A_465 = arith.constant 3 : i32
          %add3A_466 = arith.addi %add3A_418, %add3A_465 : i32
          %dma_start3A_467 = arith.constant 2 : i32
          %dma_start3A_468 = arith.constant 2 : i32
          %dma_start3A_469 = arith.constant 0 : i32
          %dma_start3A_470 = arith.constant 0 : i32
          %dma_start3A_471 = tpu.memref_slice %arg6[%dma_start3A_467, %dma_start3A_469, %dma_start3A_470] : memref<6x2x120xi32, #tpu.memory_space<vmem>> -> memref<1x2x120xi32, #tpu.memory_space<vmem>>
          %dma_start3A_472 = tpu.memref_squeeze %dma_start3A_471 : memref<1x2x120xi32, #tpu.memory_space<vmem>> -> memref<2x120xi32, #tpu.memory_space<vmem>>
          %dma_start3A_473 = arith.constant 0 : i32
          %dma_start3A_474 = arith.constant 0 : i32
          %dma_start3A_475 = tpu.memref_slice %arg3[%arg1, %add3A_466, %dma_start3A_473, %dma_start3A_474] : memref<16x168x2x120xi32, #tpu.memory_space<hbm>> -> memref<1x1x2x120xi32, #tpu.memory_space<hbm>>
          %dma_start3A_476 = tpu.memref_squeeze %dma_start3A_475 : memref<1x1x2x120xi32, #tpu.memory_space<hbm>> -> memref<2x120xi32, #tpu.memory_space<hbm>>
          %dma_start3A_477 = tpu.memref_slice %arg9[%dma_start3A_468] : memref<6x!tpu.dma_semaphore, #tpu.memory_space<semaphore_mem>> -> memref<1x!tpu.dma_semaphore, #tpu.memory_space<semaphore_mem>>
          %dma_start3A_478 = tpu.memref_squeeze %dma_start3A_477 : memref<1x!tpu.dma_semaphore, #tpu.memory_space<semaphore_mem>> -> memref<!tpu.dma_semaphore, #tpu.memory_space<semaphore_mem>>
          %dma_start3A_479 = arith.constant 0 : i32
          %dma_start3A_480 = arith.constant 0 : i32
          %dma_start3A_481 = tpu.memref_slice %arg6[%dma_start3A_467, %dma_start3A_479, %dma_start3A_480] : memref<6x2x120xi32, #tpu.memory_space<vmem>> -> memref<1x2x120xi32, #tpu.memory_space<vmem>>
          %dma_start3A_482 = tpu.memref_squeeze %dma_start3A_481 : memref<1x2x120xi32, #tpu.memory_space<vmem>> -> memref<2x120xi32, #tpu.memory_space<vmem>>
          %dma_start3A_483 = arith.constant 0 : i32
          %dma_start3A_484 = arith.constant 0 : i32
          %dma_start3A_485 = tpu.memref_slice %arg3[%arg1, %add3A_466, %dma_start3A_483, %dma_start3A_484] : memref<16x168x2x120xi32, #tpu.memory_space<hbm>> -> memref<1x1x2x120xi32, #tpu.memory_space<hbm>>
          %dma_start3A_486 = tpu.memref_squeeze %dma_start3A_485 : memref<1x1x2x120xi32, #tpu.memory_space<hbm>> -> memref<2x120xi32, #tpu.memory_space<hbm>>
          tpu.enqueue_dma source(%dma_start3A_486 : memref<2x120xi32, #tpu.memory_space<hbm>>) target(%dma_start3A_482 : memref<2x120xi32, #tpu.memory_space<vmem>>) target_semaphore(%dma_start3A_478 : memref<!tpu.dma_semaphore, #tpu.memory_space<semaphore_mem>>)
        } else {
        }
        %dma_wait3A_433 = arith.constant 5 : i32
        %dma_wait3A_434 = arith.constant 0 : i32
        %dma_wait3A_435 = arith.constant 2 : i32
        %dma_wait3A_436 = arith.constant 2 : i32
        %dma_wait3A_437 = arith.constant 0 : i32
        %dma_wait3A_438 = arith.constant 0 : i32
        %dma_wait3A_439 = tpu.memref_slice %arg7[%dma_wait3A_435, %dma_wait3A_437, %dma_wait3A_438] : memref<3x120x128xf32, #tpu.memory_space<vmem>> -> memref<1x120x128xf32, #tpu.memory_space<vmem>>
        %dma_wait3A_440 = tpu.memref_squeeze %dma_wait3A_439 : memref<1x120x128xf32, #tpu.memory_space<vmem>> -> memref<120x128xf32, #tpu.memory_space<vmem>>
        %dma_wait3A_441 = arith.constant 0 : i32
        %dma_wait3A_442 = tpu.memref_slice %arg6[%dma_wait3A_433, %dma_wait3A_434, %dma_wait3A_441] : memref<6x2x120xi32, #tpu.memory_space<vmem>> -> memref<1x1x120xi32, #tpu.memory_space<vmem>>
        %dma_wait3A_443 = tpu.memref_squeeze %dma_wait3A_442 : memref<1x1x120xi32, #tpu.memory_space<vmem>> -> memref<120xi32, #tpu.memory_space<vmem>>
        %dma_wait3A_444 = arith.constant 0 : i32
        %dma_wait3A_445 = arith.constant 0 : i32
        %dma_wait3A_446 = tpu.memref_slice %arg2[%dma_wait3A_444, %dma_wait3A_445] : memref<80000x128xf32, #tpu.memory_space<hbm>> -> memref<80000x128xf32, #tpu.memory_space<hbm>>
        %dma_wait3A_447 = tpu.memref_slice %arg10[%dma_wait3A_436] : memref<3x!tpu.dma_semaphore, #tpu.memory_space<semaphore_mem>> -> memref<1x!tpu.dma_semaphore, #tpu.memory_space<semaphore_mem>>
        %dma_wait3A_448 = tpu.memref_squeeze %dma_wait3A_447 : memref<1x!tpu.dma_semaphore, #tpu.memory_space<semaphore_mem>> -> memref<!tpu.dma_semaphore, #tpu.memory_space<semaphore_mem>>
        tpu.wait_indirect_dma semaphore(%dma_wait3A_448 : memref<!tpu.dma_semaphore, #tpu.memory_space<semaphore_mem>>) src(%dma_wait3A_446 : memref<80000x128xf32, #tpu.memory_space<hbm>>) dst(%dma_wait3A_440 : memref<120x128xf32, #tpu.memory_space<vmem>>)
        %dma_start3A_449 = arith.constant 2 : i32
        %dma_start3A_450 = arith.constant 5 : i32
        %dma_start3A_451 = arith.constant 1 : i32
        %dma_start3A_452 = arith.constant 2 : i32
        %dma_start3A_453 = arith.constant 0 : i32
        %dma_start3A_454 = arith.constant 0 : i32
        %dma_start3A_455 = tpu.memref_slice %arg7[%dma_start3A_449, %dma_start3A_453, %dma_start3A_454] : memref<3x120x128xf32, #tpu.memory_space<vmem>> -> memref<1x120x128xf32, #tpu.memory_space<vmem>>
        %dma_start3A_456 = tpu.memref_squeeze %dma_start3A_455 : memref<1x120x128xf32, #tpu.memory_space<vmem>> -> memref<120x128xf32, #tpu.memory_space<vmem>>
        %dma_start3A_457 = arith.constant 0 : i32
        %dma_start3A_458 = tpu.memref_slice %arg6[%dma_start3A_450, %dma_start3A_451, %dma_start3A_457] : memref<6x2x120xi32, #tpu.memory_space<vmem>> -> memref<1x1x120xi32, #tpu.memory_space<vmem>>
        %dma_start3A_459 = tpu.memref_squeeze %dma_start3A_458 : memref<1x1x120xi32, #tpu.memory_space<vmem>> -> memref<120xi32, #tpu.memory_space<vmem>>
        %dma_start3A_460 = arith.constant 0 : i32
        %dma_start3A_461 = arith.constant 0 : i32
        %dma_start3A_462 = tpu.memref_slice %arg8[%dma_start3A_460, %dma_start3A_461] : memref<10240x128xf32, #tpu.memory_space<vmem_shared>> -> memref<10240x128xf32, #tpu.memory_space<vmem_shared>>
        %dma_start3A_463 = tpu.memref_slice %arg11[%dma_start3A_452] : memref<3x!tpu.dma_semaphore, #tpu.memory_space<semaphore_mem>> -> memref<1x!tpu.dma_semaphore, #tpu.memory_space<semaphore_mem>>
        %dma_start3A_464 = tpu.memref_squeeze %dma_start3A_463 : memref<1x!tpu.dma_semaphore, #tpu.memory_space<semaphore_mem>> -> memref<!tpu.dma_semaphore, #tpu.memory_space<semaphore_mem>>
        tpu.enqueue_indirect_dma source(%dma_start3A_456 : memref<120x128xf32, #tpu.memory_space<vmem>>) target(%dma_start3A_462 : memref<10240x128xf32, #tpu.memory_space<vmem_shared>>) offsets(%dma_start3A_459 : memref<120xi32, #tpu.memory_space<vmem>>) semaphore(%dma_start3A_464 : memref<!tpu.dma_semaphore, #tpu.memory_space<semaphore_mem>>) {add = true}
      }
      %scan3A_113 = arith.constant 28 : i32
      %dma_wait3A_114 = arith.constant 0 : i32
      %dma_wait3A_115 = arith.constant 3 : i32
      %dma_wait3A_116 = arith.constant 1 : i32
      %dma_wait3A_117 = arith.constant 0 : i32
      %dma_wait3A_118 = arith.constant 0 : i32
      %dma_wait3A_119 = arith.constant 0 : i32
      %dma_wait3A_120 = tpu.memref_slice %arg7[%dma_wait3A_114, %dma_wait3A_118, %dma_wait3A_119] : memref<3x120x128xf32, #tpu.memory_space<vmem>> -> memref<1x120x128xf32, #tpu.memory_space<vmem>>
      %dma_wait3A_121 = tpu.memref_squeeze %dma_wait3A_120 : memref<1x120x128xf32, #tpu.memory_space<vmem>> -> memref<120x128xf32, #tpu.memory_space<vmem>>
      %dma_wait3A_122 = arith.constant 0 : i32
      %dma_wait3A_123 = tpu.memref_slice %arg6[%dma_wait3A_115, %dma_wait3A_116, %dma_wait3A_122] : memref<6x2x120xi32, #tpu.memory_space<vmem>> -> memref<1x1x120xi32, #tpu.memory_space<vmem>>
      %dma_wait3A_124 = tpu.memref_squeeze %dma_wait3A_123 : memref<1x1x120xi32, #tpu.memory_space<vmem>> -> memref<120xi32, #tpu.memory_space<vmem>>
      %dma_wait3A_125 = arith.constant 0 : i32
      %dma_wait3A_126 = arith.constant 0 : i32
      %dma_wait3A_127 = tpu.memref_slice %arg8[%dma_wait3A_125, %dma_wait3A_126] : memref<10240x128xf32, #tpu.memory_space<vmem_shared>> -> memref<10240x128xf32, #tpu.memory_space<vmem_shared>>
      %dma_wait3A_128 = tpu.memref_slice %arg11[%dma_wait3A_117] : memref<3x!tpu.dma_semaphore, #tpu.memory_space<semaphore_mem>> -> memref<1x!tpu.dma_semaphore, #tpu.memory_space<semaphore_mem>>
      %dma_wait3A_129 = tpu.memref_squeeze %dma_wait3A_128 : memref<1x!tpu.dma_semaphore, #tpu.memory_space<semaphore_mem>> -> memref<!tpu.dma_semaphore, #tpu.memory_space<semaphore_mem>>
      tpu.wait_indirect_dma semaphore(%dma_wait3A_129 : memref<!tpu.dma_semaphore, #tpu.memory_space<semaphore_mem>>) src(%dma_wait3A_121 : memref<120x128xf32, #tpu.memory_space<vmem>>) dst(%dma_wait3A_127 : memref<10240x128xf32, #tpu.memory_space<vmem_shared>>)
      %dma_wait3A_130 = arith.constant 1 : i32
      %dma_wait3A_131 = arith.constant 4 : i32
      %dma_wait3A_132 = arith.constant 1 : i32
      %dma_wait3A_133 = arith.constant 1 : i32
      %dma_wait3A_134 = arith.constant 0 : i32
      %dma_wait3A_135 = arith.constant 0 : i32
      %dma_wait3A_136 = tpu.memref_slice %arg7[%dma_wait3A_130, %dma_wait3A_134, %dma_wait3A_135] : memref<3x120x128xf32, #tpu.memory_space<vmem>> -> memref<1x120x128xf32, #tpu.memory_space<vmem>>
      %dma_wait3A_137 = tpu.memref_squeeze %dma_wait3A_136 : memref<1x120x128xf32, #tpu.memory_space<vmem>> -> memref<120x128xf32, #tpu.memory_space<vmem>>
      %dma_wait3A_138 = arith.constant 0 : i32
      %dma_wait3A_139 = tpu.memref_slice %arg6[%dma_wait3A_131, %dma_wait3A_132, %dma_wait3A_138] : memref<6x2x120xi32, #tpu.memory_space<vmem>> -> memref<1x1x120xi32, #tpu.memory_space<vmem>>
      %dma_wait3A_140 = tpu.memref_squeeze %dma_wait3A_139 : memref<1x1x120xi32, #tpu.memory_space<vmem>> -> memref<120xi32, #tpu.memory_space<vmem>>
      %dma_wait3A_141 = arith.constant 0 : i32
      %dma_wait3A_142 = arith.constant 0 : i32
      %dma_wait3A_143 = tpu.memref_slice %arg8[%dma_wait3A_141, %dma_wait3A_142] : memref<10240x128xf32, #tpu.memory_space<vmem_shared>> -> memref<10240x128xf32, #tpu.memory_space<vmem_shared>>
      %dma_wait3A_144 = tpu.memref_slice %arg11[%dma_wait3A_133] : memref<3x!tpu.dma_semaphore, #tpu.memory_space<semaphore_mem>> -> memref<1x!tpu.dma_semaphore, #tpu.memory_space<semaphore_mem>>
      %dma_wait3A_145 = tpu.memref_squeeze %dma_wait3A_144 : memref<1x!tpu.dma_semaphore, #tpu.memory_space<semaphore_mem>> -> memref<!tpu.dma_semaphore, #tpu.memory_space<semaphore_mem>>
      tpu.wait_indirect_dma semaphore(%dma_wait3A_145 : memref<!tpu.dma_semaphore, #tpu.memory_space<semaphore_mem>>) src(%dma_wait3A_137 : memref<120x128xf32, #tpu.memory_space<vmem>>) dst(%dma_wait3A_143 : memref<10240x128xf32, #tpu.memory_space<vmem_shared>>)
      %dma_wait3A_146 = arith.constant 2 : i32
      %dma_wait3A_147 = arith.constant 5 : i32
      %dma_wait3A_148 = arith.constant 1 : i32
      %dma_wait3A_149 = arith.constant 2 : i32
      %dma_wait3A_150 = arith.constant 0 : i32
      %dma_wait3A_151 = arith.constant 0 : i32
      %dma_wait3A_152 = tpu.memref_slice %arg7[%dma_wait3A_146, %dma_wait3A_150, %dma_wait3A_151] : memref<3x120x128xf32, #tpu.memory_space<vmem>> -> memref<1x120x128xf32, #tpu.memory_space<vmem>>
      %dma_wait3A_153 = tpu.memref_squeeze %dma_wait3A_152 : memref<1x120x128xf32, #tpu.memory_space<vmem>> -> memref<120x128xf32, #tpu.memory_space<vmem>>
      %dma_wait3A_154 = arith.constant 0 : i32
      %dma_wait3A_155 = tpu.memref_slice %arg6[%dma_wait3A_147, %dma_wait3A_148, %dma_wait3A_154] : memref<6x2x120xi32, #tpu.memory_space<vmem>> -> memref<1x1x120xi32, #tpu.memory_space<vmem>>
      %dma_wait3A_156 = tpu.memref_squeeze %dma_wait3A_155 : memref<1x1x120xi32, #tpu.memory_space<vmem>> -> memref<120xi32, #tpu.memory_space<vmem>>
      %dma_wait3A_157 = arith.constant 0 : i32
      %dma_wait3A_158 = arith.constant 0 : i32
      %dma_wait3A_159 = tpu.memref_slice %arg8[%dma_wait3A_157, %dma_wait3A_158] : memref<10240x128xf32, #tpu.memory_space<vmem_shared>> -> memref<10240x128xf32, #tpu.memory_space<vmem_shared>>
      %dma_wait3A_160 = tpu.memref_slice %arg11[%dma_wait3A_149] : memref<3x!tpu.dma_semaphore, #tpu.memory_space<semaphore_mem>> -> memref<1x!tpu.dma_semaphore, #tpu.memory_space<semaphore_mem>>
      %dma_wait3A_161 = tpu.memref_squeeze %dma_wait3A_160 : memref<1x!tpu.dma_semaphore, #tpu.memory_space<semaphore_mem>> -> memref<!tpu.dma_semaphore, #tpu.memory_space<semaphore_mem>>
      tpu.wait_indirect_dma semaphore(%dma_wait3A_161 : memref<!tpu.dma_semaphore, #tpu.memory_space<semaphore_mem>>) src(%dma_wait3A_153 : memref<120x128xf32, #tpu.memory_space<vmem>>) dst(%dma_wait3A_159 : memref<10240x128xf32, #tpu.memory_space<vmem_shared>>)
      %barrier3A_162 = arith.constant 0 : index
      tpu.barrier barrier_id(%barrier3A_162)
      %lt3A = arith.constant 15 : i32
      %lt3A_163 = arith.cmpi slt, %arg1, %lt3A : i32
      %convert_element_type3A_164 = arith.extui %lt3A_163 : i1 to i32
      %cond3A_165 = arith.constant 0 : i32
      %cond3A_166 = arith.cmpi ne, %convert_element_type3A_164, %cond3A_165 : i32
      scf.if %cond3A_166 {
        "tpu.region"() ({
          %run_scoped3A = tpu.sem_alloc : memref<!tpu.dma_semaphore, #tpu.memory_space<semaphore_mem>>
          %dma_start3A_172 = arith.constant 0 : i32
          %dma_start3A_173 = tpu.memref_slice %arg5[%mul3A_2, %dma_start3A_172] : memref<10000x128xf32, #tpu.memory_space<hbm>> -> memref<640x128xf32, #tpu.memory_space<hbm>>
          %dma_start3A_174 = arith.constant 0 : i32
          %dma_start3A_175 = tpu.memref_slice %arg8[%mul3A_2, %dma_start3A_174] : memref<10240x128xf32, #tpu.memory_space<vmem_shared>> -> memref<640x128xf32, #tpu.memory_space<vmem_shared>>
          tpu.enqueue_dma source(%dma_start3A_175 : memref<640x128xf32, #tpu.memory_space<vmem_shared>>) target(%dma_start3A_173 : memref<640x128xf32, #tpu.memory_space<hbm>>) target_semaphore(%run_scoped3A : memref<!tpu.dma_semaphore, #tpu.memory_space<semaphore_mem>>)
          %dma_wait3A_176 = arith.constant 0 : i32
          %dma_wait3A_177 = tpu.memref_slice %arg5[%mul3A_2, %dma_wait3A_176] : memref<10000x128xf32, #tpu.memory_space<hbm>> -> memref<640x128xf32, #tpu.memory_space<hbm>>
          %dma_wait3A_178 = arith.constant 0 : i32
          %dma_wait3A_179 = tpu.memref_slice %arg8[%mul3A_2, %dma_wait3A_178] : memref<10240x128xf32, #tpu.memory_space<vmem_shared>> -> memref<640x128xf32, #tpu.memory_space<vmem_shared>>
          tpu.wait_dma2 semaphore(%run_scoped3A : memref<!tpu.dma_semaphore, #tpu.memory_space<semaphore_mem>>) src(%dma_wait3A_179 : memref<640x128xf32, #tpu.memory_space<vmem_shared>>) dst(%dma_wait3A_177 : memref<640x128xf32, #tpu.memory_space<hbm>>)
          tpu.yield
        }) : () -> ()
      } else {
      }
      %eq3A_167 = arith.constant 15 : i32
      %eq3A_168 = arith.cmpi eq, %arg1, %eq3A_167 : i32
      %convert_element_type3A_169 = arith.extui %eq3A_168 : i1 to i32
      %cond3A_170 = arith.constant 0 : i32
      %cond3A_171 = arith.cmpi ne, %convert_element_type3A_169, %cond3A_170 : i32
      scf.if %cond3A_171 {
        "tpu.region"() ({
          %run_scoped3A = tpu.sem_alloc : memref<!tpu.dma_semaphore, #tpu.memory_space<semaphore_mem>>
          %dma_start3A_172 = arith.constant 0 : i32
          %dma_start3A_173 = tpu.memref_slice %arg5[%mul3A_2, %dma_start3A_172] : memref<10000x128xf32, #tpu.memory_space<hbm>> -> memref<400x128xf32, #tpu.memory_space<hbm>>
          %dma_start3A_174 = arith.constant 0 : i32
          %dma_start3A_175 = tpu.memref_slice %arg8[%mul3A_2, %dma_start3A_174] : memref<10240x128xf32, #tpu.memory_space<vmem_shared>> -> memref<400x128xf32, #tpu.memory_space<vmem_shared>>
          tpu.enqueue_dma source(%dma_start3A_175 : memref<400x128xf32, #tpu.memory_space<vmem_shared>>) target(%dma_start3A_173 : memref<400x128xf32, #tpu.memory_space<hbm>>) target_semaphore(%run_scoped3A : memref<!tpu.dma_semaphore, #tpu.memory_space<semaphore_mem>>)
          %dma_wait3A_176 = arith.constant 0 : i32
          %dma_wait3A_177 = tpu.memref_slice %arg5[%mul3A_2, %dma_wait3A_176] : memref<10000x128xf32, #tpu.memory_space<hbm>> -> memref<400x128xf32, #tpu.memory_space<hbm>>
          %dma_wait3A_178 = arith.constant 0 : i32
          %dma_wait3A_179 = tpu.memref_slice %arg8[%mul3A_2, %dma_wait3A_178] : memref<10240x128xf32, #tpu.memory_space<vmem_shared>> -> memref<400x128xf32, #tpu.memory_space<vmem_shared>>
          tpu.wait_dma2 semaphore(%run_scoped3A : memref<!tpu.dma_semaphore, #tpu.memory_space<semaphore_mem>>) src(%dma_wait3A_179 : memref<400x128xf32, #tpu.memory_space<vmem_shared>>) dst(%dma_wait3A_177 : memref<400x128xf32, #tpu.memory_space<hbm>>)
          tpu.yield
        }) : () -> ()
      } else {
      }
    } else {
    }
    return
  }
}

module attributes {stable_mosaic.version = 14 : i64} {
  func.func @body(%arg0: i32, %arg1: i32, %arg2: memref<2000x128xf32, #tpu.memory_space<vmem>>, %arg3: memref<1x128x128xf32, #tpu.memory_space<vmem>>, %arg4: memref<1x2000x128xf32, #tpu.memory_space<vmem>>) attributes {dimension_semantics = [#tpu.dimension_semantics<arbitrary>, #tpu.dimension_semantics<arbitrary>], iteration_bounds = array<i64: 5, 8>, scalar_prefetch = 0 : i64, scratch_operands = 0 : i64, tpu.core_type = #tpu.core_type<tc>, window_params = [{transform_indices = @transform_0, window_bounds = array<i64: 2000, 128>}, {transform_indices = @transform_1, window_bounds = array<i64: 1, 128, 128>}, {transform_indices = @transform_2, window_bounds = array<i64: 1, 2000, 128>}]} {
    %get3A = arith.constant 0 : index
    %get3A_0 = arith.constant 0 : index
    %get3A_1 = vector.load %arg2[%get3A, %get3A_0] : memref<2000x128xf32, #tpu.memory_space<vmem>>, vector<2000x128xf32>
    %get3A_2 = arith.constant 0 : index
    %get3A_3 = arith.constant 0 : index
    %get3A_4 = arith.constant 0 : index
    %get3A_5 = vector.load %arg3[%get3A_2, %get3A_3, %get3A_4] : memref<1x128x128xf32, #tpu.memory_space<vmem>>, vector<1x128x128xf32>
    %get3A_6 = vector.shape_cast %get3A_5 : vector<1x128x128xf32> to vector<128x128xf32>
    %dot_general3A = arith.constant dense<0.000000e+00> : vector<2000x128xf32>
    %dot_general3A_7 = tpu.matmul %get3A_1, %get3A_6, %dot_general3A {dimension_numbers = #tpu.dot_dimension_numbers<[1], [0], [0], [1], [0, 0, 1, 1], [], []>, transpose_lhs_hint = false} : vector<2000x128xf32>, vector<128x128xf32>, vector<2000x128xf32> -> vector<2000x128xf32>
    %max3A = arith.constant 0.000000e+00 : f32
    %max3A_8 = vector.broadcast %max3A : f32 to vector<2000x128xf32>
    %max3A_9 = arith.maximumf %dot_general3A_7, %max3A_8 : vector<2000x128xf32>
    %broadcast_in_dim3A = vector.shape_cast %max3A_9 : vector<2000x128xf32> to vector<1x2000x128xf32>
    %swap3A = arith.constant 0 : index
    %swap3A_10 = arith.constant 0 : index
    %swap3A_11 = arith.constant 0 : index
    %swap3A_12 = vector.load %arg4[%swap3A, %swap3A_10, %swap3A_11] : memref<1x2000x128xf32, #tpu.memory_space<vmem>>, vector<1x2000x128xf32>
    tpu.vector_store %arg4[%swap3A, %swap3A_10, %swap3A_11], %broadcast_in_dim3A {strides = array<i32>} : memref<1x2000x128xf32, #tpu.memory_space<vmem>>, vector<1x2000x128xf32>,
    return
  }
  func.func @transform_0(%arg0: i32, %arg1: i32) -> (i32, i32) {
    %c0_i32 = arith.constant 0 : i32
    %c0_i32_0 = arith.constant 0 : i32
    return %arg0, %c0_i32 : i32, i32
  }
  func.func @transform_1(%arg0: i32, %arg1: i32) -> (i32, i32, i32) {
    %c0_i32 = arith.constant 0 : i32
    %c0_i32_0 = arith.constant 0 : i32
    %c0_i32_1 = arith.constant 0 : i32
    return %arg1, %c0_i32, %c0_i32_0 : i32, i32, i32
  }
  func.func @transform_2(%arg0: i32, %arg1: i32) -> (i32, i32, i32) {
    %c0_i32 = arith.constant 0 : i32
    %c0_i32_0 = arith.constant 0 : i32
    return %arg1, %arg0, %c0_i32 : i32, i32, i32
  }
}

</mosaic_0001>

<sc_bundles>
// kernel: kernel.4.cloned.1.call-start
scs
__scs_entry_jumppad:
0x0: {  	(pc) =	sbr.rel $0x88, $3  }
0x1: {  	(tag) =	ssettag $0x0;
	lr =	simm.s32 $0x1  }
0x2: {  	[smem:$0x3F9D] =	sst lr;
	_ =	strace $0xD0000000  }
0x3: {  	_ = 	snop  }
0x4: {  	_ = 	snop  }
0x5: {  	_ = 	snop  }
0x6: {  	_ = 	snop  }
0x7: {  	_ = 	snop  }
__scs_overlays_trampoline_lowered:
0x8: {  	[smem:$0x3FAC] =	sst s0  }
0x9: {  	[smem:$0x3FAD] =	sst s1  }
0xa: {  	[smem:$0x3FAE] =	sst s2  }
0xb: {  	[smem:$0x3FAF] =	sst s3  }
0xc: {  	[smem:$0x3FB0] =	sst s4  }
0xd: {  	[smem:$0x3FB1] =	sst s5  }
0xe: {  	[smem:$0x3FB2] =	sst s6  }
0xf: {  	[smem:$0x3FB3] =	sst s7  }
0x10: {  	[smem:$0x3FB4] =	sst s8  }
0x11: {  	[smem:$0x3FB5] =	sst s9;
	s0 =	simm.s32 @!p0 $0x0  }
0x12: {  	s1 =	sld [smem:$0x3F9B];
	s0 =	simm.s32 @p0 $0x1  }
0x13: {  	[smem:$0x3FB6] =	sst s0;
	s0 =	simm.s32 @!p1 $0x0  }
0x14: {  	s2 =	sld [smem:$0x3F9A];
	s0 =	simm.s32 @p1 $0x1  }
0x15: {  	[smem:$0x3FB7] =	sst s0;
	s0 =	simm.s32 @!p2 $0x0  }
0x16: {  	s3 =	sld [smem:$0x3FDB];
	s0 =	simm.s32 @p2 $0x1  }
0x17: {  	s4 =	simm.s32 $0x1BF5;
	[smem:$0x3FB9] =	sst s0  }
0x18: {  	s0 =	sld [smem:$0x3F9C];
	_ =	swait.ge [sflag:s4], $0x0  }
0x19: {  	s7 =	sld [smem:$0x3F9D]  }
0x1a: {  	s8 =	sadd.s32 $0xFFFFE003, lr  }
0x1b: {  	s9 =	sadd.s32 $0xFFFFFEF7, lr;
	s5 =	simm.s32 $0xFFFFFFFF;
	p2 =	slt.u32 s8, $0xFFFFF086  }
0x1c: {  	p1 =	slt.u32 s9, $0xF7A;
	s5 =	simm.s32 @!p2 $0x0  }
0x1d: {  	s5 =	simm.s32 @p1 $0x1;
	p0 =	seq.s32 s7, s2  }
0x1e: {  	s7 =	smul.u32 @!p0 $0xF7A, s2;
	p2 =	seq.s32 @!p0 s5, $0x0  }
0x1f: {  	s9 =	smul.u32 $0xF7A, s1;
	s8 =	simm.s32 @!p0 $0x1BF5;
	p2 =	por !p2, p0  }
0x20: {  	[sflag:s8] =	ssyncset.s32 @!p0 $0xFFFFF086;
	s6 =	sadd.s32 @!p0 s3, s7;
	s7 =	simm.s32 @!p0 $0x108  }
0x21: {  	s3 =	sadd.s32 s3, s9;
	s6 =	sadd.s32 @!p0 $0x88, s6;
	s7 =	simm.s32 @p2 $0x1082  }
0x22: {  	[simem:s7], [sflag:s8] =	dma.local @!p0 [hbm:s6], $0xF7A  }
0x23: {  	s9 =	sor.u32 $0xD0000000, s2;
	s6 =	simm.s32 $0x108;
	_ =	swait.ge @!p0 [sflag:s8], $0x0  }
0x24: {  	s3 =	sadd.s32 $0x88, s3;
	s6 =	simm.s32 @!p1 $0x1082;
	[sflag:s4] =	ssyncset.s32 $0xFFFFF086  }
0x25: {  	[simem:s6], [sflag:s4] =	dma.local [hbm:s3], $0xF7A  }
0x26: {  	[smem:$0x3F9D] =	sst s1;
	(tag) =	ssettag s2;
	_ =	strace s9  }
0x27: {  	s1 =	sld [smem:$0x3FAD]  }
0x28: {  	s2 =	sld [smem:$0x3FAE]  }
0x29: {  	s4 =	sld [smem:$0x3FB0]  }
0x2a: {  	p0 =	seq.s32 s5, $0x0;
	s5 =	sld [smem:$0x3FB1]  }
0x2b: {  	s6 =	sld [smem:$0x3FB2]  }
0x2c: {  	s7 =	sld [smem:$0x3FB3]  }
0x2d: {  	s3 =	simm.s32 $0x108;
	s8 =	sld [smem:$0x3FB4]  }
0x2e: {  	s3 =	simm.s32 @!p0 $0x1082;
	s9 =	sld [smem:$0x3FB5]  }
0x2f: {  	lr =	sadd.s32 s0, s3;
	s0 =	sld [smem:$0x3FAC]  }
0x30: {  	s3 =	sld [smem:$0x3FAF]  }
0x31: {  	[smem:$0x3FB8] =	sst s10  }
0x32: {  	s10 =	sld [smem:$0x3FB6];
	_ =	sdelay $0x3  }
0x33: {  	p0 =	seq.s32 s10, $0x1;
	s10 =	sld [smem:$0x3FB8];
	_ =	sdelay $0x3  }
0x34: {  	[smem:$0x3FB8] =	sst s10  }
0x35: {  	s10 =	sld [smem:$0x3FB7];
	_ =	sdelay $0x3  }
0x36: {  	p1 =	seq.s32 s10, $0x1;
	s10 =	sld [smem:$0x3FB8];
	_ =	sdelay $0x3  }
0x37: {  	[smem:$0x3FB8] =	sst s10  }
0x38: {  	s10 =	sld [smem:$0x3FB9]  }
0x39: {  	_ = 	snop;
	(pc) =	sbr.ind lr, $3  }
0x3a: {  	_ = 	snop  }
0x3b: {  	_ = 	snop  }
0x3c: {  	p2 =	seq.s32 s10, $0x1;
	s10 =	sld [smem:$0x3FB8]  }
0x3d: {  	_ =	shalt  }
0x3e: {  	_ =	shalt  }
0x3f: {  	_ =	shalt  }
0x40: {  	_ =	shalt  }
0x41: {  	_ =	shalt  }
0x42: {  	_ =	shalt  }
0x43: {  	_ =	shalt  }
0x44: {  	_ =	shalt  }
0x45: {  	_ =	shalt  }
0x46: {  	_ =	shalt  }
0x47: {  	_ =	shalt  }
0x48: {  	_ =	shalt  }
0x49: {  	_ =	shalt  }
0x4a: {  	_ =	shalt  }
0x4b: {  	_ =	shalt  }
0x4c: {  	_ =	shalt  }
0x4d: {  	_ =	shalt  }
0x4e: {  	_ =	shalt  }
0x4f: {  	_ =	shalt  }
0x50: {  	_ =	shalt  }
0x51: {  	_ =	shalt  }
0x52: {  	_ =	shalt  }
0x53: {  	_ =	shalt  }
0x54: {  	_ =	shalt  }
0x55: {  	_ =	shalt  }
0x56: {  	_ =	shalt  }
0x57: {  	_ =	shalt  }
0x58: {  	_ =	shalt  }
0x59: {  	_ =	shalt  }
0x5a: {  	_ =	shalt  }
0x5b: {  	_ =	shalt  }
0x5c: {  	_ =	shalt  }
0x5d: {  	_ =	shalt  }
0x5e: {  	_ =	shalt  }
0x5f: {  	_ =	shalt  }
0x60: {  	_ =	shalt  }
0x61: {  	_ =	shalt  }
0x62: {  	_ =	shalt  }
0x63: {  	_ =	shalt  }
0x64: {  	_ =	shalt  }
0x65: {  	_ =	shalt  }
0x66: {  	_ =	shalt  }
0x67: {  	_ =	shalt  }
0x68: {  	_ =	shalt  }
0x69: {  	_ =	shalt  }
0x6a: {  	_ =	shalt  }
0x6b: {  	_ =	shalt  }
0x6c: {  	_ =	shalt  }
0x6d: {  	_ =	shalt  }
0x6e: {  	_ =	shalt  }
0x6f: {  	_ =	shalt  }
0x70: {  	_ =	shalt  }
0x71: {  	_ =	shalt  }
0x72: {  	_ =	shalt  }
0x73: {  	_ =	shalt  }
0x74: {  	_ =	shalt  }
0x75: {  	_ =	shalt  }
0x76: {  	_ =	shalt  }
0x77: {  	_ =	shalt  }
0x78: {  	_ =	shalt  }
0x79: {  	_ =	shalt  }
0x7a: {  	_ =	shalt  }
0x7b: {  	_ =	shalt  }
0x7c: {  	_ =	shalt  }
0x7d: {  	_ =	shalt  }
0x7e: {  	_ =	shalt  }
0x7f: {  	_ =	shalt  }
0x80: {  	_ =	shalt  }
0x81: {  	_ =	shalt  }
0x82: {  	_ =	shalt  }
0x83: {  	_ =	shalt  }
0x84: {  	_ =	shalt  }
0x85: {  	_ =	shalt  }
0x86: {  	_ =	shalt  }
0x87: {  	_ =	shalt  }
.Lfunc_end0:
.L_simem_size_0:
called_computation_lowered:
.L_overlay_start_0:
0x88: {  	s2 =	sld [smem:$0x3FD9]  }
0x89: {  	s3 =	sld [smem:$0x3FFE];
	_ =	sdelay $0x1  }
0x8a: {  	s1 =	srdreg.scid  }
0x8b: {  	s0 =	sand.u32 $0x1, s1  }
0x8c: {  	s17 =	sshll.u32 s0, $0xA;
	s2 =	sadd.s32 s3, s2  }
0x8d: {  	s2 =	sadd.s32 s2, s17  }
0x8e: {  	[smem:$0x3FC4] =	sst s2  }
0x8f: {  	_ = 	snop  }
0x90: {  	s2 =	sld [smem:$0x3FD0];
	(tm) =	ssettm $0x1  }
0x91: {  	s18 =	sld [smem:$0x3FFB];
	_ =	sdelay $0x3  }
0x92: {  	_ =	strace s18  }
0x93: {  	s3 =	sld [smem:$0x3FFC];
	_ =	sdelay $0x3  }
0x94: {  	_ =	strace s3  }
0x95: {  	s3 =	sld [smem:$0x3FFD];
	_ =	sdelay $0x3  }
0x96: {  	_ =	strace s3  }
0x97: {  	_ =	strace $0x8FFFFFFF  }
0x98: {  	s19 =	sld [smem:$0x3FDB];
	_ =	sdelay $0x1  }
0x99: {  	s4 =	simm.s32 $_scs_section_size  }
0x9a: {  	s5 =	simm.s32 $_size__tile_overlayer_lowered;
	s6 =	simm.s32 $_tile_overlayer_lowered  }
0x9b: {  	s22 =	simm.s32 $0x1BFF;
	s21 =	sshll.u32 s6, $0x1;
	s3 =	sadd.s32 s4, s19  }
0x9c: {  	s7 =	simm.s32 $0x0;
	s20 =	sshll.u32 s5, $0x1;
	s5 =	sadd.s32 s21, s3  }
0x9d: {  	[timem:s7], [sflag:s22] =	dma.local [hbm:s5], s20  }
0x9e: {  	_ =	swait.ge [sflag:s22], s20  }
0x9f: {  	s4 =	ssub.s32 $0x0, s20;
	[sflag:s22] =	ssyncset.done $0x0  }
0xa0: {  	[sflag:s22] =	ssyncadd.s32 s4;
	_ =	sdelay $0x1  }
0xa1: {  	s23 =	simm.s32 $0x1B8B  }
0xa2: {  	_ =	swait.ge [sflag:s23], $0x1  }
0xa3: {  	[sflag:s23] =	ssyncset.done $0x0  }
0xa4: {  	s25 =	simm.s32 $0x1B8E;
	s24 =	sld [smem:$0x3FFE];
	[sflag:s23] =	ssyncadd.s32 $0xFFFFFFFF  }
0xa5: {  	s26 =	simm.s32 $execute0_lowered;
	[smem:$0x3FD2] =	sst s25  }
0xa6: {  	s5 =	sshll.u32 s26, $0x1;
	_ =	strace $0x80000046;
	[dreg:$0x1] =	wrdreg $0xFFFFFFFF  }
0xa7: {  	s28 =	simm.s32 $_size_execute0_lowered;
	s3 =	sadd.s32 s3, s5;
	[dreg:$0x0] =	wrdreg $0x0  }
0xa8: {  	s5 =	sshll.u32 s28, $0x1;
	[dreg:$0x2] =	wrdreg s3  }
0xa9: {  	[dreg:$0x3] =	wrdreg s5  }
0xaa: {  	[dreg:$0x4] =	wrdreg $0xC0  }
0xab: {  	_ =	task [dreg:s7], $0x5FFFF  }
0xac: {  	[dreg:$0x1] =	wrdreg $0xFFFFFFFF  }
0xad: {  	[dreg:$0x0] =	wrdreg $0x60  }
0xae: {  	[dreg:$0x2] =	wrdreg s24  }
0xaf: {  	[dreg:$0x3] =	wrdreg s2  }
0xb0: {  	[dreg:$0x4] =	wrdreg $0xBA000  }
0xb1: {  	[dreg:$0x5] =	wrdreg $0x9  }
0xb2: {  	_ =	task.clear_ibuf [dreg:s7], $0x6FFFF;
	_ =	strace $0x90000046  }
0xb3: {  	s29 =	simm.s32 $0x9;
	_ =	strace $0x80000048  }
0xb4: {  	_ =	swait.ge [sflag:s29], $0x1  }
0xb5: {  	[sflag:s29] =	ssyncadd.s32 $0xFFFFFFFF  }
0xb6: {  	_ =	strace $0x90000048  }
0xb7: {  	_ =	sfence  }
0xb8: {  	s30 =	sld [smem:$0x0];
	_ =	sdelay $0x2  }
0xb9: {  	s31 =	sshll.u32 s1, $0xD;
	s1 =	sshrl.u32 s1, $0x2  }
0xba: {  	s3 =	sand.u32 $0x4000, s31;
	s1 =	sadd.s32 s1, s30  }
0xbb: {  	s0 =	sor.u32 s3, s0;
	s1 =	sshll.u32 s1, $0x11  }
0xbc: {  	s0 =	sor.u32 s1, s0  }
0xbd: {  	s0 =	sadd.s32 $0x8F2B, s0  }
0xbe: {  	[sflag:s0] =	ssyncadd.remote.s32 $0x1  }
0xbf: {  	_ =	sfence.sel $0xFFFF  }
0xc0: {  	[dreg:$0x0] =	wrdreg $0xFFFFFFFF;
	(pc) =	sbr.abs _section_cstart, $3  }
0xc1: {  	[dreg:$0x1] =	wrdreg $0xFFFFFFFF  }
0xc2: {  	_ =	task.clear_ibuf [dreg:s7], $0x2FFFF;
	_ =	strace $0x9FFFFFFF  }
0xc3: {  	(tm) =	ssettm $0x7FFFFFFF  }
tec
execute0_lowered:
.L_overlay_start_1:
0x0: {  	(tag) =	ssettag $0x1  }
0x1: {  	s1 =	srdreg.scid  }
0x2: {  	s1 =	sand.u32 $0x1, s1  }
0x3: {  	p0 =	seq.s32 s1, $0x1  }
.Ltmp0:
0x4: {  	_ = 	snop;
	(pc) =	sbr.rel @p0 .LBB2_4-.Ltmp0, $4  }
0x5: {  	s0 =	rddreg [dreg:$0x0]  }
0x6: {  	s4 =	rddreg [dreg:$0x2];
	s5 =	simm.s32 $0x0  }
0x7: {  	[smem:$0x7FF] =	sst s5  }
0x8: {  	s2 =	rddreg [dreg:$0x3];
	_ =	strace $0x80000047;
	s1 =	stileid.u32  }
0x9: {  	s2 =	smul.u32 $0x50000, s1;
	_ =	sdelay $0x1  }
0xa: {  	s2 =	sshrl.u32 s2, $0x2  }
0xb: {  	s3 =	sshll.u32 s1, $0x6;
	s6 =	sadd.s32 $0x14E000, s0;
	s9 =	sadd.s32 s2, s4  }
0xc: {  	s10 =	simm.s32 $0xD;
	s1 =	sor.u32 $0x1C0D, s3;
	s7 =	sshrl.u32 s9, $0x3  }
0xd: {  	[spmem:s7], [sflag:s1] =	dma.local [hbm:s6], $0x800  }
0xe: {  	_ =	swait.ge [sflag:s10], $0x800  }
0xf: {  	s8 =	sadd.s32 $0x4000, s9;
	[sflag:s10] =	ssyncset.done $0x0  }
0x10: {  	s8 =	sshrl.u32 s8, $0x3;
	[sflag:s10] =	ssyncadd.s32 $0xFFFFF800  }
0x11: {  	[spmem:s8], [sflag:s1] =	dma.local [hbm:s6], $0x800  }
0x12: {  	_ =	swait.ge [sflag:s10], $0x800  }
0x13: {  	s11 =	sadd.s32 $0x8000, s9;
	[sflag:s10] =	ssyncset.done $0x0  }
0x14: {  	s8 =	sshrl.u32 s11, $0x3;
	[sflag:s10] =	ssyncadd.s32 $0xFFFFF800  }
0x15: {  	[spmem:s8], [sflag:s1] =	dma.local [hbm:s6], $0x800  }
0x16: {  	_ =	swait.ge [sflag:s10], $0x800  }
0x17: {  	s12 =	sadd.s32 $0xC000, s9;
	[sflag:s10] =	ssyncset.done $0x0  }
0x18: {  	s8 =	sshrl.u32 s12, $0x3;
	[sflag:s10] =	ssyncadd.s32 $0xFFFFF800  }
0x19: {  	[spmem:s8], [sflag:s1] =	dma.local [hbm:s6], $0x800  }
0x1a: {  	s2 =	stileid.u32;
	_ =	swait.ge [sflag:s10], $0x800  }
0x1b: {  	s13 =	sadd.s32 $0x10000, s9;
	[dreg:$0x9] =	wrdreg s9;
	[sflag:s10] =	ssyncset.done $0x0  }
0x1c: {  	s8 =	sshrl.u32 s13, $0x3;
	[dreg:$0xa] =	wrdreg s1;
	[sflag:s10] =	ssyncadd.s32 $0xFFFFF800  }
0x1d: {  	[spmem:s8], [sflag:s1] =	dma.local [hbm:s6], $0x800  }
0x1e: {  	s14 =	smul.u32 $0xA800, s2;
	_ =	swait.ge [sflag:s10], $0x800  }
0x1f: {  	[sflag:s10] =	ssyncset.done $0x0  }
0x20: {  	s12 =	sadd.s32 $0x800, s0;
	s6 =	sshrl.u32 s14, $0x3;
	[sflag:s10] =	ssyncadd.s32 $0xFFFFF800  }
0x21: {  	s17 =	simm.s32 $0x100;
	s15 =	sadd.s32 s12, s6;
	[bflag:$0x0] =	sbarrier.arrive $0xFFFF  }
0x22: {  	[tilespmem:s5], [sflag:$0x1] =	stream.linear.gather [hbm4b:s15+s5], $0x100, $0x38;
	[tilespmem:$0x1FA00] =	vst v63  }
0x23: {  	s19 =	simm.s32 $0x200;
	s20 =	simm.s32 $0x1;
	s16 =	sadd.s32 $0x20, s15  }
0x24: {  	[tilespmem:s17], [sflag:$0x2] =	stream.linear.gather [hbm4b:s16+s5], $0x100, $0x38;
	[tilespmem:$0x1FA00] =	vst v63  }
0x25: {  	s21 =	simm.s32 $0x80;
	s22 =	simm.s32 $0x180;
	s18 =	sadd.s32 $0x40, s15  }
0x26: {  	[tilespmem:s19], [sflag:$0x3] =	stream.linear.gather [hbm4b:s18+s5], $0x100, $0x38;
	[tilespmem:$0x1FA00] =	vst v63  }
0x27: {  	s23 =	simm.s32 $0x280;
	_ =	swait.ge [sflag:s20], $0x100;
	[dreg:$0x4] =	wrdreg s21  }
0x28: {  	s24 =	simm.s32 $0x380;
	s25 =	simm.s32 $0x580;
	[dreg:$0x5] =	wrdreg s22  }
0x29: {  	s11 =	simm.s32 $0x2;
	s9 =	simm.s32 $0x78;
	[dreg:$0x6] =	wrdreg s23  }
0x2a: {  	s8 =	sadd.s32 $0x15800, s0;
	[dreg:$0x7] =	wrdreg s24;
	[sflag:s20] =	ssyncset.done $0x0  }
0x2b: {  	s10 =	simm.s32 $0x600;
	[dreg:$0x8] =	wrdreg s25;
	[sflag:s20] =	ssyncadd.s32 $0xFFFFFF00  }
0x2c: {  	[tilespmem:s10], [sflag:$0x7] =	stream.indirect.gather [hbm4b:s8+s9], $0x80, s5, s9, $0xb8;
	[tilespmem:$0x1FA00] =	vst v63  }
0x2d: {  	_ =	swait.ge [sflag:s11], $0x100  }
0x2e: {  	p0 =	por $0x1, $0x1;
	[sflag:s11] =	ssyncset.done $0x0  }
0x2f: {  	s26 =	smul.u32 $0x1500, s2;
	s14 =	simm.s32 @!p0 $0xB;
	[sflag:s11] =	ssyncadd.s32 $0xFFFFFF00  }
0x30: {  	_ =	swait.ge @!p0 [sflag:s14], $0x3C00  }
0x31: {  	s12 =	sadd.s32 s26, s12;
	[sflag:s14] =	ssyncset.done @!p0 $0x0  }
0x32: {  	s13 =	simm.s32 $0x4200;
	s0 =	sadd.s32 $0x0, s12;
	[sflag:s14] =	ssyncadd.s32 @!p0 $0xFFFFC400  }
0x33: {  	[tilespmem:s13], [sflag:$0x8] =	stream.indirect.gather [hbm4b:s8+s9], $0x80, s17, s9, $0xb8;
	[tilespmem:$0x1FA00] =	vst v63  }
0x34: {  	s15 =	simm.s32 $0x7;
	s16 =	sadd.s32 $0x60, s0;
	s14 =	simm.s32 $0x300  }
0x35: {  	[tilespmem:s14], [sflag:$0x4] =	stream.linear.gather [hbm4b:s16+s5], $0x100, $0x38;
	[tilespmem:$0x1FA00] =	vst v63  }
0x36: {  	_ =	swait.ge [sflag:s15], $0x3C00  }
0x37: {  	[sflag:s15] =	ssyncset.done $0x0  }
0x38: {  	s16 =	simm.s32 $0x3;
	s17 =	rddreg [dreg:$0x4];
	[sflag:s15] =	ssyncadd.s32 $0xFFFFC400  }
0x39: {  	[spmem:s4] =	stream.indirect.scatter.add.f32 [tilespmem:s10], [sflag:$0xA], $0x80, s17, s9, $0xb8;
	[tilespmem:$0x1FA00] =	vst v63  }
0x3a: {  	_ =	swait.ge [sflag:s16], $0x100  }
0x3b: {  	[sflag:s16] =	ssyncset.done $0x0  }
0x3c: {  	s18 =	simm.s32 @!p0 $0xC;
	[sflag:s16] =	ssyncadd.s32 $0xFFFFFF00  }
0x3d: {  	_ =	swait.ge @!p0 [sflag:s18], $0x3C00  }
0x3e: {  	[sflag:s18] =	ssyncset.done @!p0 $0x0  }
0x3f: {  	s17 =	simm.s32 $0x7E00;
	[sflag:s18] =	ssyncadd.s32 @!p0 $0xFFFFC400  }
0x40: {  	[tilespmem:s17], [sflag:$0x9] =	stream.indirect.gather [hbm4b:s8+s9], $0x80, s19, s9, $0xb8;
	[tilespmem:$0x1FA00] =	vst v63  }
0x41: {  	s20 =	sadd.s32 $0x80, s0;
	s18 =	simm.s32 $0x400;
	s19 =	simm.s32 $0x8  }
0x42: {  	[tilespmem:s18], [sflag:$0x5] =	stream.linear.gather [hbm4b:s20+s5], $0x100, $0x38;
	[tilespmem:$0x1FA00] =	vst v63  }
0x43: {  	_ =	swait.ge [sflag:s19], $0x3C00  }
0x44: {  	[sflag:s19] =	ssyncset.done $0x0  }
0x45: {  	s20 =	simm.s32 $0x4;
	s21 =	rddreg [dreg:$0x5];
	[sflag:s19] =	ssyncadd.s32 $0xFFFFC400  }
0x46: {  	[spmem:s4] =	stream.indirect.scatter.add.f32 [tilespmem:s13], [sflag:$0xB], $0x80, s21, s9, $0xb8;
	[tilespmem:$0x1FA00] =	vst v63  }
0x47: {  	_ =	swait.ge [sflag:s20], $0x100  }
0x48: {  	[sflag:s20] =	ssyncset.done $0x0  }
0x49: {  	s21 =	simm.s32 $0xA;
	[sflag:s20] =	ssyncadd.s32 $0xFFFFFF00  }
0x4a: {  	_ =	swait.ge [sflag:s21], $0x3C00  }
0x4b: {  	[sflag:s21] =	ssyncset.done $0x0  }
0x4c: {  	[sflag:s21] =	ssyncadd.s32 $0xFFFFC400  }
0x4d: {  	[tilespmem:s10], [sflag:$0x7] =	stream.indirect.gather [hbm4b:s8+s9], $0x80, s14, s9, $0xb8;
	[tilespmem:$0x1FA00] =	vst v63  }
0x4e: {  	s22 =	simm.s32 $0x500;
	s23 =	simm.s32 $0x9;
	s0 =	sadd.s32 $0xA0, s0  }
0x4f: {  	[tilespmem:s22], [sflag:$0x6] =	stream.linear.gather [hbm4b:s0+s5], $0x100, $0x38;
	[tilespmem:$0x1FA00] =	vst v63  }
0x50: {  	_ =	swait.ge [sflag:s23], $0x3C00  }
0x51: {  	[sflag:s23] =	ssyncset.done $0x0  }
0x52: {  	s24 =	simm.s32 $0x5;
	s30 =	rddreg [dreg:$0x6];
	[sflag:s23] =	ssyncadd.s32 $0xFFFFC400  }
0x53: {  	[spmem:s4] =	stream.indirect.scatter.add.f32 [tilespmem:s17], [sflag:$0xC], $0x80, s30, s9, $0xb8;
	[tilespmem:$0x1FA00] =	vst v63  }
0x54: {  	_ =	swait.ge [sflag:s24], $0x100  }
0x55: {  	[sflag:s24] =	ssyncset.done $0x0  }
0x56: {  	s25 =	simm.s32 $0xB;
	[sflag:s24] =	ssyncadd.s32 $0xFFFFFF00  }
0x57: {  	_ =	swait.ge [sflag:s25], $0x3C00  }
0x58: {  	p0 =	por $0x0, $0x0;
	[sflag:s25] =	ssyncset.done $0x0  }
0x59: {  	s0 =	sadd.s32 @!p0 $0x0, s12;
	[sflag:s25] =	ssyncadd.s32 $0xFFFFC400  }
0x5a: {  	[tilespmem:s13], [sflag:$0x8] =	stream.indirect.gather [hbm4b:s8+s9], $0x80, s18, s9, $0xb8;
	[tilespmem:$0x1FA00] =	vst v63  }
0x5b: {  	s29 =	simm.s32 @!p0 $0x0;
	s26 =	sadd.s32 @!p0 $0xC0, s0  }
0x5c: {  	[tilespmem:s29], [sflag:$0x1] =	stream.linear.gather @!p0 [hbm4b:s26+s29], $0x100, $0x38;
	[tilespmem:$0x1FA00] =	vst v63  }
0x5d: {  	_ =	swait.ge [sflag:s15], $0x3C00  }
0x5e: {  	[sflag:s15] =	ssyncset.done $0x0  }
0x5f: {  	s26 =	simm.s32 $0x6;
	s1 =	rddreg [dreg:$0x7];
	[sflag:s15] =	ssyncadd.s32 $0xFFFFC400  }
0x60: {  	[spmem:s4] =	stream.indirect.scatter.add.f32 [tilespmem:s10], [sflag:$0xA], $0x80, s1, s9, $0xb8;
	[tilespmem:$0x1FA00] =	vst v63  }
0x61: {  	_ =	swait.ge [sflag:s26], $0x100  }
0x62: {  	[sflag:s26] =	ssyncset.done $0x0  }
0x63: {  	s28 =	simm.s32 $0xC;
	[sflag:s26] =	ssyncadd.s32 $0xFFFFFF00  }
0x64: {  	_ =	swait.ge [sflag:s28], $0x3C00  }
0x65: {  	[sflag:s28] =	ssyncset.done $0x0  }
0x66: {  	s31 =	simm.s32 @p0 $0x8;
	[sflag:s28] =	ssyncadd.s32 $0xFFFFC400  }
0x67: {  	[tilespmem:s17], [sflag:$0x9] =	stream.indirect.gather [hbm4b:s8+s9], $0x80, s22, s9, $0xb8;
	[tilespmem:$0x1FA00] =	vst v63  }
0x68: {  	_ =	swait.ge @p0 [sflag:s31], $0x3C00  }
0x69: {  	s30 =	simm.s32 @p0 $0x78;
	[sflag:s31] =	ssyncset.done @p0 $0x0  }
0x6a: {  	s1 =	simm.s32 @p0 $0x480;
	[sflag:s31] =	ssyncadd.s32 @p0 $0xFFFFC400;
	s31 =	simm.s32 @p0 $0x4200  }
0x6b: {  	[spmem:s4] =	stream.indirect.scatter.add.f32 @p0 [tilespmem:s31], [sflag:$0xB], $0x80, s1, s30, $0xb8;
	[tilespmem:$0x1FA00] =	vst v63  }
0x6c: {  	s1 =	sadd.s32 @!p0 $0xE0, s0;
	s30 =	simm.s32 @!p0 $0x100  }
0x6d: {  	[tilespmem:s30], [sflag:$0x2] =	stream.linear.gather @!p0 [hbm4b:s1+s29], $0x100, $0x38;
	[tilespmem:$0x1FA00] =	vst v63  }
0x6e: {  	s1 =	simm.s32 @!p0 $0x8  }
0x6f: {  	_ =	swait.ge @!p0 [sflag:s1], $0x3C00  }
0x70: {  	s31 =	simm.s32 @!p0 $0x480;
	[sflag:s1] =	ssyncset.done @!p0 $0x0  }
0x71: {  	s30 =	simm.s32 @!p0 $0x78;
	[sflag:s1] =	ssyncadd.s32 @!p0 $0xFFFFC400;
	s1 =	simm.s32 @!p0 $0x4200  }
0x72: {  	[spmem:s4] =	stream.indirect.scatter.add.f32 @!p0 [tilespmem:s1], [sflag:$0xB], $0x80, s31, s30, $0xb8;
	[tilespmem:$0x1FA00] =	vst v63  }
0x73: {  	s1 =	simm.s32 @!p0 $0x1  }
0x74: {  	_ =	swait.ge @!p0 [sflag:s1], $0x100  }
0x75: {  	[sflag:s1] =	ssyncset.done @!p0 $0x0  }
0x76: {  	[sflag:s1] =	ssyncadd.s32 @!p0 $0xFFFFFF00;
	s1 =	simm.s32 @!p0 $0xA  }
0x77: {  	_ =	swait.ge @!p0 [sflag:s1], $0x3C00  }
0x78: {  	[sflag:s1] =	ssyncset.done @!p0 $0x0  }
0x79: {  	[sflag:s1] =	ssyncadd.s32 @!p0 $0xFFFFC400;
	s1 =	simm.s32 @!p0 $0x600  }
0x7a: {  	[tilespmem:s1], [sflag:$0x7] =	stream.indirect.gather @!p0 [hbm4b:s8+s30], $0x80, s29, s30, $0xb8;
	[tilespmem:$0x1FA00] =	vst v63  }
0x7b: {  	s0 =	sadd.s32 @!p0 $0x100, s0;
	s1 =	simm.s32 @!p0 $0x200  }
0x7c: {  	[tilespmem:s1], [sflag:$0x3] =	stream.linear.gather @!p0 [hbm4b:s0+s29], $0x100, $0x38;
	[tilespmem:$0x1FA00] =	vst v63  }
0x7d: {  	s3 =	smul.u32 $0x2800, s2;
	_ =	swait.ge [sflag:s23], $0x3C00  }
0x7e: {  	s6 =	rddreg [dreg:$0x1]  }
0x7f: {  	s7 =	simm.s32 $0x200;
	s29 =	rddreg [dreg:$0x8];
	s0 =	sadd.s32 s6, s3  }
0x80: {  	[sflag:s23] =	ssyncset.done $0x0;
	s30 =	sadd.s32 $0x25800, s6;
	[dreg:$0xb] =	wrdreg s0  }
0x81: {  	s31 =	simm.s32 $0xC0;
	[sflag:s23] =	ssyncadd.s32 $0xFFFFC400;
	[dreg:$0xc] =	wrdreg s30  }
.LBB2_2:
0x82: {  	[spmem:s4] =	stream.indirect.scatter.add.f32 [tilespmem:s17], [sflag:$0xC], $0x80, s29, s9, $0xb8;
	[tilespmem:$0x1FA00] =	vst v63  }
0x83: {  	s0 =	smov.u32 s31;
	_ =	swait.ge [sflag:s11], $0x100  }
0x84: {  	p1 =	seq.s32 s0, $0x0;
	[sflag:s11] =	ssyncset.done $0x0  }
0x85: {  	s1 =	simm.s32 @!p1 $0xB;
	[sflag:s11] =	ssyncadd.s32 $0xFFFFFF00  }
0x86: {  	_ =	swait.ge @!p1 [sflag:s1], $0x3C00  }
0x87: {  	[sflag:s1] =	ssyncset.done @!p1 $0x0  }
0x88: {  	s2 =	simm.s32 $0x100;
	s3 =	sadd.s32 s0, s12;
	[sflag:s1] =	ssyncadd.s32 @!p1 $0xFFFFC400  }
0x89: {  	[tilespmem:s13], [sflag:$0x8] =	stream.indirect.gather [hbm4b:s8+s9], $0x80, s2, s9, $0xb8;
	[tilespmem:$0x1FA00] =	vst v63  }
0x8a: {  	s29 =	sadd.s32 $0x60, s3  }
0x8b: {  	[tilespmem:s14], [sflag:$0x4] =	stream.linear.gather [hbm4b:s29+s5], $0x100, $0x38;
	[tilespmem:$0x1FA00] =	vst v63  }
0x8c: {  	_ =	swait.ge [sflag:s15], $0x3C00  }
0x8d: {  	[sflag:s15] =	ssyncset.done $0x0  }
0x8e: {  	s29 =	rddreg [dreg:$0x4];
	[sflag:s15] =	ssyncadd.s32 $0xFFFFC400  }
0x8f: {  	[spmem:s4] =	stream.indirect.scatter.add.f32 [tilespmem:s10], [sflag:$0xA], $0x80, s29, s9, $0xb8;
	[tilespmem:$0x1FA00] =	vst v63  }
0x90: {  	_ =	swait.ge [sflag:s16], $0x100  }
0x91: {  	[sflag:s16] =	ssyncset.done $0x0  }
0x92: {  	s29 =	simm.s32 @!p1 $0xC;
	[sflag:s16] =	ssyncadd.s32 $0xFFFFFF00  }
0x93: {  	_ =	swait.ge @!p1 [sflag:s29], $0x3C00  }
0x94: {  	[sflag:s29] =	ssyncset.done @!p1 $0x0  }
0x95: {  	[sflag:s29] =	ssyncadd.s32 @!p1 $0xFFFFC400  }
0x96: {  	[tilespmem:s17], [sflag:$0x9] =	stream.indirect.gather [hbm4b:s8+s9], $0x80, s7, s9, $0xb8;
	[tilespmem:$0x1FA00] =	vst v63  }
0x97: {  	s29 =	sadd.s32 $0x80, s3  }
0x98: {  	[tilespmem:s18], [sflag:$0x5] =	stream.linear.gather [hbm4b:s29+s5], $0x100, $0x38;
	[tilespmem:$0x1FA00] =	vst v63  }
0x99: {  	_ =	swait.ge [sflag:s19], $0x3C00  }
0x9a: {  	[sflag:s19] =	ssyncset.done $0x0  }
0x9b: {  	s29 =	rddreg [dreg:$0x5];
	[sflag:s19] =	ssyncadd.s32 $0xFFFFC400  }
0x9c: {  	[spmem:s4] =	stream.indirect.scatter.add.f32 [tilespmem:s13], [sflag:$0xB], $0x80, s29, s9, $0xb8;
	[tilespmem:$0x1FA00] =	vst v63  }
0x9d: {  	_ =	swait.ge [sflag:s20], $0x100  }
0x9e: {  	[sflag:s20] =	ssyncset.done $0x0  }
0x9f: {  	[sflag:s20] =	ssyncadd.s32 $0xFFFFFF00  }
0xa0: {  	_ =	swait.ge [sflag:s21], $0x3C00  }
0xa1: {  	[sflag:s21] =	ssyncset.done $0x0  }
0xa2: {  	[sflag:s21] =	ssyncadd.s32 $0xFFFFC400  }
0xa3: {  	[tilespmem:s10], [sflag:$0x7] =	stream.indirect.gather [hbm4b:s8+s9], $0x80, s14, s9, $0xb8;
	[tilespmem:$0x1FA00] =	vst v63  }
0xa4: {  	s1 =	sadd.s32 $0xA0, s3  }
0xa5: {  	[tilespmem:s22], [sflag:$0x6] =	stream.linear.gather [hbm4b:s1+s5], $0x100, $0x38;
	[tilespmem:$0x1FA00] =	vst v63  }
0xa6: {  	_ =	swait.ge [sflag:s23], $0x3C00  }
0xa7: {  	[sflag:s23] =	ssyncset.done $0x0  }
0xa8: {  	s6 =	rddreg [dreg:$0x6];
	[sflag:s23] =	ssyncadd.s32 $0xFFFFC400  }
0xa9: {  	[spmem:s4] =	stream.indirect.scatter.add.f32 [tilespmem:s17], [sflag:$0xC], $0x80, s6, s9, $0xb8;
	[tilespmem:$0x1FA00] =	vst v63  }
0xaa: {  	_ =	swait.ge [sflag:s24], $0x100  }
0xab: {  	[sflag:s24] =	ssyncset.done $0x0  }
0xac: {  	[sflag:s24] =	ssyncadd.s32 $0xFFFFFF00  }
0xad: {  	_ =	swait.ge [sflag:s25], $0x3C00  }
0xae: {  	p1 =	seq.s32 s0, $0x1440;
	[sflag:s25] =	ssyncset.done $0x0  }
0xaf: {  	s1 =	sadd.s32 @!p1 s0, s12;
	[sflag:s25] =	ssyncadd.s32 $0xFFFFC400  }
0xb0: {  	[tilespmem:s13], [sflag:$0x8] =	stream.indirect.gather [hbm4b:s8+s9], $0x80, s18, s9, $0xb8;
	[tilespmem:$0x1FA00] =	vst v63  }
0xb1: {  	s0 =	simm.s32 @!p1 $0x0;
	s30 =	sadd.s32 @!p1 $0xC0, s1  }
0xb2: {  	[tilespmem:s0], [sflag:$0x1] =	stream.linear.gather @!p1 [hbm4b:s30+s0], $0x100, $0x38;
	[tilespmem:$0x1FA00] =	vst v63  }
0xb3: {  	_ =	swait.ge [sflag:s15], $0x3C00  }
0xb4: {  	[sflag:s15] =	ssyncset.done $0x0  }
0xb5: {  	s30 =	rddreg [dreg:$0x7];
	[sflag:s15] =	ssyncadd.s32 $0xFFFFC400  }
0xb6: {  	[spmem:s4] =	stream.indirect.scatter.add.f32 [tilespmem:s10], [sflag:$0xA], $0x80, s30, s9, $0xb8;
	[tilespmem:$0x1FA00] =	vst v63  }
0xb7: {  	_ =	swait.ge [sflag:s26], $0x100  }
0xb8: {  	[sflag:s26] =	ssyncset.done $0x0  }
0xb9: {  	[sflag:s26] =	ssyncadd.s32 $0xFFFFFF00  }
0xba: {  	_ =	swait.ge [sflag:s28], $0x3C00  }
0xbb: {  	s2 =	sadd.s32 @!p1 $0xE0, s1;
	[sflag:s28] =	ssyncset.done $0x0  }
0xbc: {  	s29 =	sadd.s32 @!p1 $0x100, s1;
	s1 =	simm.s32 @p1 $0x8;
	[sflag:s28] =	ssyncadd.s32 $0xFFFFC400  }
0xbd: {  	[tilespmem:s17], [sflag:$0x9] =	stream.indirect.gather [hbm4b:s8+s9], $0x80, s22, s9, $0xb8;
	[tilespmem:$0x1FA00] =	vst v63  }
0xbe: {  	_ =	swait.ge @p1 [sflag:s1], $0x3C00  }
0xbf: {  	s3 =	simm.s32 @p1 $0x78;
	[sflag:s1] =	ssyncset.done @p1 $0x0  }
0xc0: {  	s6 =	simm.s32 @p1 $0x480;
	s30 =	simm.s32 @p1 $0x4200;
	[sflag:s1] =	ssyncadd.s32 @p1 $0xFFFFC400  }
0xc1: {  	[spmem:s4] =	stream.indirect.scatter.add.f32 @p1 [tilespmem:s30], [sflag:$0xB], $0x80, s6, s3, $0xb8;
	[tilespmem:$0x1FA00] =	vst v63  }
0xc2: {  	s1 =	simm.s32 @!p1 $0x100;
	s3 =	simm.s32 @!p1 $0x8  }
0xc3: {  	[tilespmem:s1], [sflag:$0x2] =	stream.linear.gather @!p1 [hbm4b:s2+s0], $0x100, $0x38;
	[tilespmem:$0x1FA00] =	vst v63  }
0xc4: {  	_ =	swait.ge @!p1 [sflag:s3], $0x3C00  }
0xc5: {  	s6 =	simm.s32 @!p1 $0x480;
	s1 =	simm.s32 @!p1 $0x4200;
	[sflag:s3] =	ssyncset.done @!p1 $0x0  }
0xc6: {  	s2 =	simm.s32 @!p1 $0x78;
	[sflag:s3] =	ssyncadd.s32 @!p1 $0xFFFFC400;
	s3 =	simm.s32 @!p1 $0x1  }
0xc7: {  	[spmem:s4] =	stream.indirect.scatter.add.f32 @!p1 [tilespmem:s1], [sflag:$0xB], $0x80, s6, s2, $0xb8;
	[tilespmem:$0x1FA00] =	vst v63  }
0xc8: {  	_ =	swait.ge @!p1 [sflag:s3], $0x100  }
0xc9: {  	[sflag:s3] =	ssyncset.done @!p1 $0x0  }
0xca: {  	s1 =	simm.s32 @!p1 $0xA;
	[sflag:s3] =	ssyncadd.s32 @!p1 $0xFFFFFF00  }
0xcb: {  	_ =	swait.ge @!p1 [sflag:s1], $0x3C00  }
0xcc: {  	s31 =	sadd.s32 $0xC0, s31;
	[sflag:s1] =	ssyncset.done @!p1 $0x0  }
0xcd: {  	p0 =	sne.s32 s31, $0x1500;
	s3 =	simm.s32 @!p1 $0x600;
	[sflag:s1] =	ssyncadd.s32 @!p1 $0xFFFFC400  }
0xce: {  	[tilespmem:s3], [sflag:$0x7] =	stream.indirect.gather @!p1 [hbm4b:s8+s2], $0x80, s0, s2, $0xb8;
	[tilespmem:$0x1FA00] =	vst v63  }
.Ltmp1:
0xcf: {  	s1 =	simm.s32 @!p1 $0x200;
	(pc) =	sbr.rel @p0 .LBB2_2-.Ltmp1, $4  }
0xd0: {  	[tilespmem:s1], [sflag:$0x3] =	stream.linear.gather @!p1 [hbm4b:s29+s0], $0x100, $0x38;
	[tilespmem:$0x1FA00] =	vst v63  }
0xd1: {  	_ =	swait.ge [sflag:s23], $0x3C00  }
0xd2: {  	[sflag:s23] =	ssyncset.done $0x0  }
0xd3: {  	s29 =	rddreg [dreg:$0x8];
	[sflag:s23] =	ssyncadd.s32 $0xFFFFC400  }
0xd4: {  	[spmem:s4] =	stream.indirect.scatter.add.f32 [tilespmem:s17], [sflag:$0xC], $0x80, s29, s9, $0xb8;
	[tilespmem:$0x1FA00] =	vst v63  }
0xd5: {  	s0 =	simm.s32 $0xA  }
0xd6: {  	_ =	swait.ge [sflag:s0], $0x3C00  }
0xd7: {  	[sflag:s0] =	ssyncset.done $0x0  }
0xd8: {  	s30 =	simm.s32 $0xB;
	[sflag:s0] =	ssyncadd.s32 $0xFFFFC400  }
0xd9: {  	_ =	swait.ge [sflag:s30], $0x3C00  }
0xda: {  	[sflag:s30] =	ssyncset.done $0x0  }
0xdb: {  	s31 =	simm.s32 $0xC;
	[sflag:s30] =	ssyncadd.s32 $0xFFFFC400  }
0xdc: {  	_ =	swait.ge [sflag:s31], $0x3C00  }
0xdd: {  	[sflag:s31] =	ssyncset.done $0x0  }
0xde: {  	[sflag:s31] =	ssyncadd.s32 $0xFFFFC400  }
0xdf: {  	[bflag:$0x0] =	sbarrier.arrive $0xFFFF  }
0xe0: {  	s1 =	stileid.u32;
	s2 =	rddreg [dreg:$0x9]  }
0xe1: {  	p0 =	seq.s32 s1, $0xF;
	s3 =	rddreg [dreg:$0xa]  }
0xe2: {  	s4 =	rddreg [dreg:$0xc];
	s0 =	sshrl.u32 @p0 s2, $0x3  }
0xe3: {  	[hbm:s4], [sflag:s3] =	dma.local @p0 [spmem:s0], $0x1900  }
0xe4: {  	s0 =	simm.s32 @p0 $0xD  }
0xe5: {  	_ =	swait.ge @p0 [sflag:s0], $0x1900  }
0xe6: {  	[sflag:s0] =	ssyncset.done @p0 $0x0  }
0xe7: {  	[sflag:s0] =	ssyncadd.s32 @p0 $0xFFFFE700;
	s0 =	sshrl.u32 @!p0 s2, $0x3;
	s2 =	rddreg [dreg:$0xb]  }
0xe8: {  	[hbm:s2], [sflag:s3] =	dma.local @!p0 [spmem:s0], $0x2800  }
0xe9: {  	s0 =	simm.s32 @!p0 $0xD  }
0xea: {  	_ =	swait.ge @!p0 [sflag:s0], $0x2800  }
0xeb: {  	[sflag:s0] =	ssyncset.done @!p0 $0x0  }
0xec: {  	[sflag:s0] =	ssyncadd.s32 @!p0 $0xFFFFD800  }
0xed: {  	s2 =	rddreg [dreg:$0x3]  }
.LBB2_4:
0xee: {  	_ =	sfence.sel $0x180000  }
0xef: {  	[bflag:$0x0] =	sbarrier.arrive $0xFFFF  }
0xf0: {  	p0 =	sne.s32 s1, $0x0;
	_ =	strace $0x90000047  }
0xf1: {  	s0 =	sadd.s32 @!p0 $0x100000, s2;
	[bflag:$0x2] =	sbarrier.arrive $0xFFFF  }
0xf2: {  	[sflag:s0] =	ssyncadd.tile.s32 @!p0 $0x1;
	_ =	shalt  }
.Lfunc_end2:
_tile_overlayer_lowered:
.L_overlay_start_2:
0xf3: {  	(tag) =	ssettag $0x2  }
0xf4: {  	s0 =	rddreg [dreg:$0x0];
	s2 =	stileid.u32  }
0xf5: {  	s1 =	rddreg [dreg:$0x1];
	p0 =	sne.s32 s2, $0x0  }
0xf6: {  	s3 =	rddreg [dreg:$0x2];
	[bflag:$0x3] =	sbarrier.arrive $0xFFFF;
	s2 =	simm.s32 @!p0 $0x1C0D  }
0xf7: {  	[timem:s3], [sflag:s2] =	dma.local @!p0 [hbm:s0], s1  }
0xf8: {  	s0 =	simm.s32 @!p0 $0xD  }
0xf9: {  	_ =	swait.ge @!p0 [sflag:s0], s1  }
0xfa: {  	s1 =	ssub.s32 @!p0 $0x0, s1;
	[sflag:s0] =	ssyncset.done @!p0 $0x0  }
0xfb: {  	[sflag:s0] =	ssyncadd.s32 @!p0 s1  }
0xfc: {  	[bflag:$0x3] =	sbarrier.arrive $0xFFFF  }
0xfd: {  	_ =	shalt  }

</sc_bundles>
